<compile_context>
chip_gen: v7x
topology: tpu7x:2x2x1
jax: 0.10.2.dev20260603
libtpu: 0.0.44.dev20260713+nightly
codegen_flags: <defaults>
</compile_context>

<pallas_src>
import functools

import jax
import jax.numpy as jnp
import numpy as np
from jax import lax
from jax.experimental import pallas as pl
from jax.experimental.pallas import tpu as pltpu
from jax.experimental.pallas import tpu_sc as plsc

G_GRAPHS = 64
NC = 2
NS = 16
NW = NC * NS
CHUNK = 128
ROWS_PER_TILE = 632
NPAD = NS * ROWS_PER_TILE

_F32 = jnp.float32


def _mesh():
    return plsc.VectorSubcoreMesh(core_axis_name="c", subcore_axis_name="s")


def _stage_idx(src2, pad2, dst, w, ch, lr):

    @pl.when(w < NW - 1)
    def _():
        pltpu.sync_copy(src2.at[pl.ds(w * ch, ch)], dst)

    @pl.when(w == NW - 1)
    def _():
        pltpu.sync_copy(src2.at[pl.ds((NW - 1) * ch, lr)], dst.at[pl.ds(0, lr)])
        pltpu.sync_copy(pad2, dst.at[pl.ds(lr, ch - lr)])


def _sc_degree(ec2, padc, ones_blk, zero_blk, ch, lr):
    h = ones_blk.shape[1]

    @functools.partial(
        pl.kernel,
        mesh=_mesh(),
        out_type=jax.ShapeDtypeStruct((NC, NPAD, h), _F32),
        compiler_params=pltpu.CompilerParams(use_tc_tiling_on_sc=False),
        scratch_types=[
            pltpu.VMEM((ch, CHUNK), jnp.int32),
            pltpu.VMEM((CHUNK, h), _F32),
            pltpu.VMEM_SHARED((NPAD, h), _F32),
        ],
    )
    def deg_k(col_hbm, pad_hbm, ones_hbm, zero_hbm, out_hbm, col_v, ones_v, deg_sh):
        c = lax.axis_index("c")
        s = lax.axis_index("s")
        w = c * NS + s
        _stage_idx(col_hbm, pad_hbm, col_v, w, ch, lr)
        pltpu.sync_copy(ones_hbm, ones_v)
        pltpu.sync_copy(zero_hbm, deg_sh.at[pl.ds(s * ROWS_PER_TILE, ROWS_PER_TILE)])
        plsc.subcore_barrier()

        def body(j, carry):
            pltpu.sync_copy(ones_v, deg_sh.at[col_v.at[j]], add=True)
            return carry

        lax.fori_loop(0, ch, body, 0)
        plsc.subcore_barrier()
        pltpu.sync_copy(
            deg_sh.at[pl.ds(s * ROWS_PER_TILE, ROWS_PER_TILE)],
            out_hbm.at[c, pl.ds(s * ROWS_PER_TILE, ROWS_PER_TILE)],
        )

    return deg_k(ec2, padc, ones_blk, zero_blk)


def _sc_aggregate(y, er2, ec2, padr, padc, zero_blk, ch, lr):
    h = y.shape[1]

    @functools.partial(
        pl.kernel,
        mesh=_mesh(),
        out_type=jax.ShapeDtypeStruct((NC, NPAD, h), _F32),
        compiler_params=pltpu.CompilerParams(use_tc_tiling_on_sc=False),
        scratch_types=[
            pltpu.VMEM((ch, CHUNK), jnp.int32),
            pltpu.VMEM((ch, CHUNK), jnp.int32),
            pltpu.VMEM((4, CHUNK, h), _F32),
            pltpu.VMEM_SHARED((NPAD, h), _F32),
        ]
        + [pltpu.SemaphoreType.DMA] * 4,
    )
    def agg_k(y_hbm, row_hbm, col_hbm, padr_hbm, padc_hbm, zero_hbm, out_hbm,
              row_v, col_v, gbuf, z_sh, *sems):
        c = lax.axis_index("c")
        s = lax.axis_index("s")
        w = c * NS + s
        _stage_idx(row_hbm, padr_hbm, row_v, w, ch, lr)
        _stage_idx(col_hbm, padc_hbm, col_v, w, ch, lr)
        pltpu.sync_copy(zero_hbm, z_sh.at[pl.ds(s * ROWS_PER_TILE, ROWS_PER_TILE)])
        plsc.subcore_barrier()

        nb = 4
        for b in range(nb):
            pltpu.async_copy(y_hbm.at[row_v.at[b]], gbuf.at[b], sems[b])

        def body(i, carry):
            for b in range(nb):
                j = nb * i + b
                pltpu.make_async_copy(y_hbm.at[row_v.at[j]], gbuf.at[b], sems[b]).wait()
                pltpu.sync_copy(gbuf.at[b], z_sh.at[col_v.at[j]], add=True)

                @pl.when(j + nb < ch)
                def _():
                    pltpu.async_copy(y_hbm.at[row_v.at[j + nb]], gbuf.at[b], sems[b])

            return carry

        lax.fori_loop(0, ch // nb, body, 0)
        plsc.subcore_barrier()
        pltpu.sync_copy(
            z_sh.at[pl.ds(s * ROWS_PER_TILE, ROWS_PER_TILE)],
            out_hbm.at[c, pl.ds(s * ROWS_PER_TILE, ROWS_PER_TILE)],
        )

    return agg_k(y, er2, ec2, padr, padc, zero_blk)


def _tc_xw(x2, w1b):
    nr = x2.shape[0]

    def body(x2_ref, w_ref, y_ref):
        y_ref[...] = jnp.dot(x2_ref[...], w_ref[...], preferred_element_type=_F32)

    return pl.pallas_call(
        body,
        out_shape=jax.ShapeDtypeStruct((nr, 128), _F32),
    )(x2, w1b)


def _tc_prelayer(degv, xw128):
    nr = xw128.shape[0]

    def body(deg_ref, xw_ref, dis_ref, y_ref):
        dis128 = lax.rsqrt(deg_ref[0] + deg_ref[1] + 1.0)
        dis_ref[...] = dis128
        y_ref[...] = dis128[0:nr] * xw_ref[...]

    return pl.pallas_call(
        body,
        out_shape=(
            jax.ShapeDtypeStruct((NPAD // 2, 128), _F32),
            jax.ShapeDtypeStruct((nr, 128), _F32),
        ),
    )(degv, xw128)


def _tc_midlayer(zv, y128, dis128, b128, w2b):
    nr = y128.shape[0]

    def body(z_ref, y_ref, dis_ref, b_ref, w_ref, out_ref):
        dis_n = dis_ref[0:nr]
        u = z_ref[0][0:nr] + z_ref[1][0:nr] + y_ref[...]
        hid = jax.nn.relu(dis_n * u + b_ref[...])
        out_ref[...] = dis_n * jnp.dot(hid, w_ref[...], preferred_element_type=_F32)

    return pl.pallas_call(
        body,
        out_shape=jax.ShapeDtypeStruct((nr, 128), _F32),
    )(zv, y128, dis128, b128, w2b)


def _tc_head(zv, y128, dis128, b128, batch_e, batch_o, wl, bl):
    nr = y128.shape[0]
    h = 64

    def body(z_ref, y_ref, dis_ref, b_ref, be_ref, bo_ref, wl_ref, bl_ref, out_ref):
        dis_n = dis_ref[0:nr]
        u = z_ref[0][0:nr] + z_ref[1][0:nr] + y_ref[...]
        hid = jax.nn.relu(dis_n * u + b_ref[...])
        gids = lax.broadcasted_iota(jnp.int32, (G_GRAPHS, nr), 0)
        mask_e = jnp.where(be_ref[...] == gids, 1.0, 0.0).astype(_F32)
        mask_o = jnp.where(bo_ref[...] == gids, 1.0, 0.0).astype(_F32)
        sums = (jnp.dot(mask_e, hid[:, 0:h], preferred_element_type=_F32)
                + jnp.dot(mask_o, hid[:, h:2 * h], preferred_element_type=_F32))
        cnt = (jnp.sum(mask_e, axis=1, keepdims=True)
               + jnp.sum(mask_o, axis=1, keepdims=True))
        pooled = sums / jnp.maximum(cnt, 1.0)
        logits = jnp.dot(pooled, wl_ref[...], preferred_element_type=_F32) + bl_ref[...]
        out_ref[...] = jax.nn.sigmoid(logits)

    return pl.pallas_call(
        body,
        out_shape=jax.ShapeDtypeStruct((G_GRAPHS, 1), _F32),
    )(zv, y128, dis128, b128, batch_e, batch_o, wl, bl)


def kernel(x, edge_index, batch, W1, b1, W2, b2, Wl, bl):
    n = x.shape[0]
    e = edge_index.shape[1]
    hh = W1.shape[1]
    dd = x.shape[1]

    ech = e // CHUNK
    ch = -(-ech // NW)
    ch = -(-ch // 4) * 4
    lr = ech - (NW - 1) * ch
    pc = ch - lr
    pad_i = np.arange(pc * CHUNK, dtype=np.int32)
    padr = jnp.asarray((pad_i % n).reshape(pc, CHUNK))
    padc = jnp.asarray((n + pad_i % (NPAD - n)).reshape(pc, CHUNK))
    er2 = edge_index[0].reshape(ech, CHUNK)
    ec2 = edge_index[1].reshape(ech, CHUNK)

    ones_blk = jnp.ones((CHUNK, hh), _F32)
    zero_blk = jnp.zeros((ROWS_PER_TILE, hh), _F32)

    w1b = jnp.zeros((2 * dd, 2 * hh), _F32)
    w1b = w1b.at[0:dd, 0:hh].set(W1).at[dd:2 * dd, hh:2 * hh].set(W1)
    w2b = jnp.zeros((2 * hh, 2 * hh), _F32)
    w2b = w2b.at[0:hh, 0:hh].set(W2).at[hh:2 * hh, hh:2 * hh].set(W2)
    b1p = jnp.concatenate([b1, b1]).reshape(1, 2 * hh)
    b2p = jnp.concatenate([b2, b2]).reshape(1, 2 * hh)
    bi = batch.astype(jnp.int32)
    batch_e = bi[0::2].reshape(1, n // 2)
    batch_o = bi[1::2].reshape(1, n // 2)
    x2 = x.reshape(n // 2, 2 * dd)

    degp = _sc_degree(ec2, padc, ones_blk, zero_blk, ch, lr)
    degv = degp.reshape(NC, NPAD // 2, 128)
    xw = _tc_xw(x2, w1b)
    dis128, y1 = _tc_prelayer(degv, xw)
    z1 = _sc_aggregate(y1.reshape(n, hh), er2, ec2, padr, padc, zero_blk, ch, lr)
    z1v = z1.reshape(NC, NPAD // 2, 128)
    y2 = _tc_midlayer(z1v, y1, dis128, b1p, w2b)
    z2 = _sc_aggregate(y2.reshape(n, hh), er2, ec2, padr, padc, zero_blk, ch, lr)
    z2v = z2.reshape(NC, NPAD // 2, 128)
    return _tc_head(z2v, y2, dis128, b2p, batch_e, batch_o, Wl, bl.reshape(1, 1))

# --- scband reference (transcript-rebuilt; emitter-appended) ---
"""Pipeline reference for scband-gcn-7043746365666 (READ-ONLY COPY).

The authoritative reference and input builder live on the scoring server;
editing this copy changes nothing except your own understanding.
"""

import jax, jax.numpy as jnp
import numpy as np

N = 10000
E = 320000
D = 128
H = 64
G = 64


def gcn_conv(x, edge_index, W, b):
    num_nodes = x.shape[0]
    row = edge_index[0]
    col = edge_index[1]
    loop = jnp.arange(num_nodes, dtype=row.dtype)
    row = jnp.concatenate([row, loop])
    col = jnp.concatenate([col, loop])
    # symmetric normalization (PyG gcn_norm with add_self_loops=True, edge_weight=1)
    deg = jnp.zeros((num_nodes,), x.dtype).at[col].add(jnp.ones((row.shape[0],), x.dtype))
    dis = jnp.where(deg > 0, 1.0 / jnp.sqrt(deg), 0.0)
    norm = dis[row] * dis[col]
    xw = x @ W
    msg = xw[row] * norm[:, None]
    out = jnp.zeros((num_nodes, xw.shape[1]), x.dtype).at[col].add(msg)
    return out + b


def setup_inputs(seed: int = 0):
    key = jax.random.key(seed)
    ks = jax.random.split(key, 9)
    x = jax.random.normal(ks[0], (N, D), dtype=jnp.float32)
    edge_index = jax.random.randint(ks[1], (2, E), 0, N, dtype=jnp.int32)
    batch = jnp.sort(jax.random.randint(ks[2], (N,), 0, G, dtype=jnp.int32))
    W1 = jax.random.normal(ks[3], (D, H), dtype=jnp.float32) * (1.0 / np.sqrt(D))
    b1 = jnp.zeros((H,), dtype=jnp.float32)
    W2 = jax.random.normal(ks[4], (H, H), dtype=jnp.float32) * (1.0 / np.sqrt(H))
    b2 = jnp.zeros((H,), dtype=jnp.float32)
    Wl = jax.random.normal(ks[5], (H, 1), dtype=jnp.float32) * (1.0 / np.sqrt(H))
    bl = jnp.zeros((1,), dtype=jnp.float32)
    return {"x": x, "edge_index": edge_index, "batch": batch,
            "W1": W1, "b1": b1, "W2": W2, "b2": b2, "Wl": Wl, "bl": bl}


def reference(x, edge_index, batch, W1, b1, W2, b2, Wl, bl):
    h = jax.nn.relu(gcn_conv(x, edge_index, W1, b1))
    h = jax.nn.relu(gcn_conv(h, edge_index, W2, b2))
    sums = jax.ops.segment_sum(h, batch, num_segments=G)
    cnt = jax.ops.segment_sum(jnp.ones((h.shape[0], 1), h.dtype), batch, num_segments=G)
    pooled = sums / jnp.maximum(cnt, 1.0)
    out = pooled @ Wl + bl
    return jax.nn.sigmoid(out)

if __name__ == "__main__":
    import jax
    _d = setup_inputs()
    print(jax.jit(kernel)(*tuple(_d.values())))

</pallas_src>

<mosaic_0001>
#map = affine_map<(d0, d1) -> (0, 0)>
#map1 = affine_map<(d0, d1) -> (0, 0, 0)>
module attributes {stable_mosaic.version = 14 : i64} {
  func.func @agg_k(%arg0: i32, %arg1: i32, %arg2: memref<10000x64xf32, #tpu.memory_space<hbm>>, %arg3: memref<2500x128xi32, #tpu.memory_space<hbm>>, %arg4: memref<2500x128xi32, #tpu.memory_space<hbm>>, %arg5: memref<60x128xi32, #tpu.memory_space<hbm>>, %arg6: memref<60x128xi32, #tpu.memory_space<hbm>>, %arg7: memref<632x64xf32, #tpu.memory_space<hbm>>, %arg8: memref<2x10112x64xf32, #tpu.memory_space<hbm>>, %arg9: memref<80x128xi32, #tpu.memory_space<vmem>>, %arg10: memref<80x128xi32, #tpu.memory_space<vmem>>, %arg11: memref<4x128x64xf32, #tpu.memory_space<vmem>>, %arg12: memref<10112x64xf32, #tpu.memory_space<vmem_shared>>, %arg13: memref<!tpu.dma_semaphore, #tpu.memory_space<semaphore_mem>>, %arg14: memref<!tpu.dma_semaphore, #tpu.memory_space<semaphore_mem>>, %arg15: memref<!tpu.dma_semaphore, #tpu.memory_space<semaphore_mem>>, %arg16: memref<!tpu.dma_semaphore, #tpu.memory_space<semaphore_mem>>) attributes {dimension_semantics = [#tpu.dimension_semantics<core_parallel>, #tpu.dimension_semantics<subcore_parallel>], iteration_bounds = array<i64: 2, 16>, scalar_prefetch = 0 : i64, scratch_operands = 8 : i64, tpu.core_type = #tpu.core_type<sc_vector_subcore>, window_params = [{transform_indices = #map}, {transform_indices = #map}, {transform_indices = #map}, {transform_indices = #map}, {transform_indices = #map}, {transform_indices = #map}, {transform_indices = #map1}]} {
    %mul3A = arith.constant 16 : i32
    %mul3A_0 = arith.muli %arg0, %mul3A : i32
    %add3A = arith.addi %mul3A_0, %arg1 : i32
    %lt3A = arith.constant 31 : i32
    %lt3A_1 = arith.cmpi slt, %add3A, %lt3A : i32
    %convert_element_type3A = arith.extui %lt3A_1 : i1 to i32
    %cond3A = arith.constant 0 : i32
    %cond3A_2 = arith.cmpi ne, %convert_element_type3A, %cond3A : i32
    scf.if %cond3A_2 {
      %mul3A_76 = arith.constant 80 : i32
      %mul3A_77 = arith.muli %add3A, %mul3A_76 : i32
      "tpu.region"() ({
        %run_scoped3A = tpu.sem_alloc : memref<!tpu.dma_semaphore, #tpu.memory_space<semaphore_mem>>
        %dma_start3A_78 = arith.constant 0 : i32
        %dma_start3A_79 = tpu.memref_slice %arg3[%mul3A_77, %dma_start3A_78] : memref<2500x128xi32, #tpu.memory_space<hbm>> -> memref<80x128xi32, #tpu.memory_space<hbm>>
        %dma_start3A_80 = arith.constant 0 : i32
        %dma_start3A_81 = tpu.memref_slice %arg3[%mul3A_77, %dma_start3A_80] : memref<2500x128xi32, #tpu.memory_space<hbm>> -> memref<80x128xi32, #tpu.memory_space<hbm>>
        tpu.enqueue_dma source(%dma_start3A_81 : memref<80x128xi32, #tpu.memory_space<hbm>>) target(%arg9 : memref<80x128xi32, #tpu.memory_space<vmem>>) target_semaphore(%run_scoped3A : memref<!tpu.dma_semaphore, #tpu.memory_space<semaphore_mem>>)
        %dma_wait3A = arith.constant 0 : i32
        %dma_wait3A_82 = tpu.memref_slice %arg3[%mul3A_77, %dma_wait3A] : memref<2500x128xi32, #tpu.memory_space<hbm>> -> memref<80x128xi32, #tpu.memory_space<hbm>>
        %dma_wait3A_83 = arith.constant 0 : i32
        %dma_wait3A_84 = tpu.memref_slice %arg3[%mul3A_77, %dma_wait3A_83] : memref<2500x128xi32, #tpu.memory_space<hbm>> -> memref<80x128xi32, #tpu.memory_space<hbm>>
        tpu.wait_dma2 semaphore(%run_scoped3A : memref<!tpu.dma_semaphore, #tpu.memory_space<semaphore_mem>>) src(%dma_wait3A_84 : memref<80x128xi32, #tpu.memory_space<hbm>>) dst(%arg9 : memref<80x128xi32, #tpu.memory_space<vmem>>)
        tpu.yield
      }) : () -> ()
    } else {
    }
    %eq3A = arith.constant 31 : i32
    %eq3A_3 = arith.cmpi eq, %add3A, %eq3A : i32
    %convert_element_type3A_4 = arith.extui %eq3A_3 : i1 to i32
    %cond3A_5 = arith.constant 0 : i32
    %cond3A_6 = arith.cmpi ne, %convert_element_type3A_4, %cond3A_5 : i32
    scf.if %cond3A_6 {
      "tpu.region"() ({
        %run_scoped3A = tpu.sem_alloc : memref<!tpu.dma_semaphore, #tpu.memory_space<semaphore_mem>>
        %dma_start3A_76 = arith.constant 0 : i32
        %dma_start3A_77 = arith.constant 0 : i32
        %dma_start3A_78 = tpu.memref_slice %arg9[%dma_start3A_76, %dma_start3A_77] : memref<80x128xi32, #tpu.memory_space<vmem>> -> memref<20x128xi32, #tpu.memory_space<vmem>>
        %dma_start3A_79 = arith.constant 2480 : i32
        %dma_start3A_80 = arith.constant 0 : i32
        %dma_start3A_81 = tpu.memref_slice %arg3[%dma_start3A_79, %dma_start3A_80] : memref<2500x128xi32, #tpu.memory_space<hbm>> -> memref<20x128xi32, #tpu.memory_space<hbm>>
        %dma_start3A_82 = arith.constant 0 : i32
        %dma_start3A_83 = arith.constant 0 : i32
        %dma_start3A_84 = tpu.memref_slice %arg9[%dma_start3A_82, %dma_start3A_83] : memref<80x128xi32, #tpu.memory_space<vmem>> -> memref<20x128xi32, #tpu.memory_space<vmem>>
        %dma_start3A_85 = arith.constant 2480 : i32
        %dma_start3A_86 = arith.constant 0 : i32
        %dma_start3A_87 = tpu.memref_slice %arg3[%dma_start3A_85, %dma_start3A_86] : memref<2500x128xi32, #tpu.memory_space<hbm>> -> memref<20x128xi32, #tpu.memory_space<hbm>>
        tpu.enqueue_dma source(%dma_start3A_87 : memref<20x128xi32, #tpu.memory_space<hbm>>) target(%dma_start3A_84 : memref<20x128xi32, #tpu.memory_space<vmem>>) target_semaphore(%run_scoped3A : memref<!tpu.dma_semaphore, #tpu.memory_space<semaphore_mem>>)
        %dma_wait3A = arith.constant 0 : i32
        %dma_wait3A_88 = arith.constant 0 : i32
        %dma_wait3A_89 = tpu.memref_slice %arg9[%dma_wait3A, %dma_wait3A_88] : memref<80x128xi32, #tpu.memory_space<vmem>> -> memref<20x128xi32, #tpu.memory_space<vmem>>
        %dma_wait3A_90 = arith.constant 2480 : i32
        %dma_wait3A_91 = arith.constant 0 : i32
        %dma_wait3A_92 = tpu.memref_slice %arg3[%dma_wait3A_90, %dma_wait3A_91] : memref<2500x128xi32, #tpu.memory_space<hbm>> -> memref<20x128xi32, #tpu.memory_space<hbm>>
        %dma_wait3A_93 = arith.constant 0 : i32
        %dma_wait3A_94 = arith.constant 0 : i32
        %dma_wait3A_95 = tpu.memref_slice %arg9[%dma_wait3A_93, %dma_wait3A_94] : memref<80x128xi32, #tpu.memory_space<vmem>> -> memref<20x128xi32, #tpu.memory_space<vmem>>
        %dma_wait3A_96 = arith.constant 2480 : i32
        %dma_wait3A_97 = arith.constant 0 : i32
        %dma_wait3A_98 = tpu.memref_slice %arg3[%dma_wait3A_96, %dma_wait3A_97] : memref<2500x128xi32, #tpu.memory_space<hbm>> -> memref<20x128xi32, #tpu.memory_space<hbm>>
        tpu.wait_dma2 semaphore(%run_scoped3A : memref<!tpu.dma_semaphore, #tpu.memory_space<semaphore_mem>>) src(%dma_wait3A_98 : memref<20x128xi32, #tpu.memory_space<hbm>>) dst(%dma_wait3A_95 : memref<20x128xi32, #tpu.memory_space<vmem>>)
        tpu.yield
      }) : () -> ()
      "tpu.region"() ({
        %run_scoped3A = tpu.sem_alloc : memref<!tpu.dma_semaphore, #tpu.memory_space<semaphore_mem>>
        %dma_start3A_76 = arith.constant 20 : i32
        %dma_start3A_77 = arith.constant 0 : i32
        %dma_start3A_78 = tpu.memref_slice %arg9[%dma_start3A_76, %dma_start3A_77] : memref<80x128xi32, #tpu.memory_space<vmem>> -> memref<60x128xi32, #tpu.memory_space<vmem>>
        %dma_start3A_79 = arith.constant 20 : i32
        %dma_start3A_80 = arith.constant 0 : i32
        %dma_start3A_81 = tpu.memref_slice %arg9[%dma_start3A_79, %dma_start3A_80] : memref<80x128xi32, #tpu.memory_space<vmem>> -> memref<60x128xi32, #tpu.memory_space<vmem>>
        tpu.enqueue_dma source(%arg5 : memref<60x128xi32, #tpu.memory_space<hbm>>) target(%dma_start3A_81 : memref<60x128xi32, #tpu.memory_space<vmem>>) target_semaphore(%run_scoped3A : memref<!tpu.dma_semaphore, #tpu.memory_space<semaphore_mem>>)
        %dma_wait3A = arith.constant 20 : i32
        %dma_wait3A_82 = arith.constant 0 : i32
        %dma_wait3A_83 = tpu.memref_slice %arg9[%dma_wait3A, %dma_wait3A_82] : memref<80x128xi32, #tpu.memory_space<vmem>> -> memref<60x128xi32, #tpu.memory_space<vmem>>
        %dma_wait3A_84 = arith.constant 20 : i32
        %dma_wait3A_85 = arith.constant 0 : i32
        %dma_wait3A_86 = tpu.memref_slice %arg9[%dma_wait3A_84, %dma_wait3A_85] : memref<80x128xi32, #tpu.memory_space<vmem>> -> memref<60x128xi32, #tpu.memory_space<vmem>>
        tpu.wait_dma2 semaphore(%run_scoped3A : memref<!tpu.dma_semaphore, #tpu.memory_space<semaphore_mem>>) src(%arg5 : memref<60x128xi32, #tpu.memory_space<hbm>>) dst(%dma_wait3A_86 : memref<60x128xi32, #tpu.memory_space<vmem>>)
        tpu.yield
      }) : () -> ()
    } else {
    }
    %lt3A_7 = arith.constant 31 : i32
    %lt3A_8 = arith.cmpi slt, %add3A, %lt3A_7 : i32
    %convert_element_type3A_9 = arith.extui %lt3A_8 : i1 to i32
    %cond3A_10 = arith.constant 0 : i32
    %cond3A_11 = arith.cmpi ne, %convert_element_type3A_9, %cond3A_10 : i32
    scf.if %cond3A_11 {
      %mul3A_76 = arith.constant 80 : i32
      %mul3A_77 = arith.muli %add3A, %mul3A_76 : i32
      "tpu.region"() ({
        %run_scoped3A = tpu.sem_alloc : memref<!tpu.dma_semaphore, #tpu.memory_space<semaphore_mem>>
        %dma_start3A_78 = arith.constant 0 : i32
        %dma_start3A_79 = tpu.memref_slice %arg4[%mul3A_77, %dma_start3A_78] : memref<2500x128xi32, #tpu.memory_space<hbm>> -> memref<80x128xi32, #tpu.memory_space<hbm>>
        %dma_start3A_80 = arith.constant 0 : i32
        %dma_start3A_81 = tpu.memref_slice %arg4[%mul3A_77, %dma_start3A_80] : memref<2500x128xi32, #tpu.memory_space<hbm>> -> memref<80x128xi32, #tpu.memory_space<hbm>>
        tpu.enqueue_dma source(%dma_start3A_81 : memref<80x128xi32, #tpu.memory_space<hbm>>) target(%arg10 : memref<80x128xi32, #tpu.memory_space<vmem>>) target_semaphore(%run_scoped3A : memref<!tpu.dma_semaphore, #tpu.memory_space<semaphore_mem>>)
        %dma_wait3A = arith.constant 0 : i32
        %dma_wait3A_82 = tpu.memref_slice %arg4[%mul3A_77, %dma_wait3A] : memref<2500x128xi32, #tpu.memory_space<hbm>> -> memref<80x128xi32, #tpu.memory_space<hbm>>
        %dma_wait3A_83 = arith.constant 0 : i32
        %dma_wait3A_84 = tpu.memref_slice %arg4[%mul3A_77, %dma_wait3A_83] : memref<2500x128xi32, #tpu.memory_space<hbm>> -> memref<80x128xi32, #tpu.memory_space<hbm>>
        tpu.wait_dma2 semaphore(%run_scoped3A : memref<!tpu.dma_semaphore, #tpu.memory_space<semaphore_mem>>) src(%dma_wait3A_84 : memref<80x128xi32, #tpu.memory_space<hbm>>) dst(%arg10 : memref<80x128xi32, #tpu.memory_space<vmem>>)
        tpu.yield
      }) : () -> ()
    } else {
    }
    %eq3A_12 = arith.constant 31 : i32
    %eq3A_13 = arith.cmpi eq, %add3A, %eq3A_12 : i32
    %convert_element_type3A_14 = arith.extui %eq3A_13 : i1 to i32
    %cond3A_15 = arith.constant 0 : i32
    %cond3A_16 = arith.cmpi ne, %convert_element_type3A_14, %cond3A_15 : i32
    scf.if %cond3A_16 {
      "tpu.region"() ({
        %run_scoped3A = tpu.sem_alloc : memref<!tpu.dma_semaphore, #tpu.memory_space<semaphore_mem>>
        %dma_start3A_76 = arith.constant 0 : i32
        %dma_start3A_77 = arith.constant 0 : i32
        %dma_start3A_78 = tpu.memref_slice %arg10[%dma_start3A_76, %dma_start3A_77] : memref<80x128xi32, #tpu.memory_space<vmem>> -> memref<20x128xi32, #tpu.memory_space<vmem>>
        %dma_start3A_79 = arith.constant 2480 : i32
        %dma_start3A_80 = arith.constant 0 : i32
        %dma_start3A_81 = tpu.memref_slice %arg4[%dma_start3A_79, %dma_start3A_80] : memref<2500x128xi32, #tpu.memory_space<hbm>> -> memref<20x128xi32, #tpu.memory_space<hbm>>
        %dma_start3A_82 = arith.constant 0 : i32
        %dma_start3A_83 = arith.constant 0 : i32
        %dma_start3A_84 = tpu.memref_slice %arg10[%dma_start3A_82, %dma_start3A_83] : memref<80x128xi32, #tpu.memory_space<vmem>> -> memref<20x128xi32, #tpu.memory_space<vmem>>
        %dma_start3A_85 = arith.constant 2480 : i32
        %dma_start3A_86 = arith.constant 0 : i32
        %dma_start3A_87 = tpu.memref_slice %arg4[%dma_start3A_85, %dma_start3A_86] : memref<2500x128xi32, #tpu.memory_space<hbm>> -> memref<20x128xi32, #tpu.memory_space<hbm>>
        tpu.enqueue_dma source(%dma_start3A_87 : memref<20x128xi32, #tpu.memory_space<hbm>>) target(%dma_start3A_84 : memref<20x128xi32, #tpu.memory_space<vmem>>) target_semaphore(%run_scoped3A : memref<!tpu.dma_semaphore, #tpu.memory_space<semaphore_mem>>)
        %dma_wait3A = arith.constant 0 : i32
        %dma_wait3A_88 = arith.constant 0 : i32
        %dma_wait3A_89 = tpu.memref_slice %arg10[%dma_wait3A, %dma_wait3A_88] : memref<80x128xi32, #tpu.memory_space<vmem>> -> memref<20x128xi32, #tpu.memory_space<vmem>>
        %dma_wait3A_90 = arith.constant 2480 : i32
        %dma_wait3A_91 = arith.constant 0 : i32
        %dma_wait3A_92 = tpu.memref_slice %arg4[%dma_wait3A_90, %dma_wait3A_91] : memref<2500x128xi32, #tpu.memory_space<hbm>> -> memref<20x128xi32, #tpu.memory_space<hbm>>
        %dma_wait3A_93 = arith.constant 0 : i32
        %dma_wait3A_94 = arith.constant 0 : i32
        %dma_wait3A_95 = tpu.memref_slice %arg10[%dma_wait3A_93, %dma_wait3A_94] : memref<80x128xi32, #tpu.memory_space<vmem>> -> memref<20x128xi32, #tpu.memory_space<vmem>>
        %dma_wait3A_96 = arith.constant 2480 : i32
        %dma_wait3A_97 = arith.constant 0 : i32
        %dma_wait3A_98 = tpu.memref_slice %arg4[%dma_wait3A_96, %dma_wait3A_97] : memref<2500x128xi32, #tpu.memory_space<hbm>> -> memref<20x128xi32, #tpu.memory_space<hbm>>
        tpu.wait_dma2 semaphore(%run_scoped3A : memref<!tpu.dma_semaphore, #tpu.memory_space<semaphore_mem>>) src(%dma_wait3A_98 : memref<20x128xi32, #tpu.memory_space<hbm>>) dst(%dma_wait3A_95 : memref<20x128xi32, #tpu.memory_space<vmem>>)
        tpu.yield
      }) : () -> ()
      "tpu.region"() ({
        %run_scoped3A = tpu.sem_alloc : memref<!tpu.dma_semaphore, #tpu.memory_space<semaphore_mem>>
        %dma_start3A_76 = arith.constant 20 : i32
        %dma_start3A_77 = arith.constant 0 : i32
        %dma_start3A_78 = tpu.memref_slice %arg10[%dma_start3A_76, %dma_start3A_77] : memref<80x128xi32, #tpu.memory_space<vmem>> -> memref<60x128xi32, #tpu.memory_space<vmem>>
        %dma_start3A_79 = arith.constant 20 : i32
        %dma_start3A_80 = arith.constant 0 : i32
        %dma_start3A_81 = tpu.memref_slice %arg10[%dma_start3A_79, %dma_start3A_80] : memref<80x128xi32, #tpu.memory_space<vmem>> -> memref<60x128xi32, #tpu.memory_space<vmem>>
        tpu.enqueue_dma source(%arg6 : memref<60x128xi32, #tpu.memory_space<hbm>>) target(%dma_start3A_81 : memref<60x128xi32, #tpu.memory_space<vmem>>) target_semaphore(%run_scoped3A : memref<!tpu.dma_semaphore, #tpu.memory_space<semaphore_mem>>)
        %dma_wait3A = arith.constant 20 : i32
        %dma_wait3A_82 = arith.constant 0 : i32
        %dma_wait3A_83 = tpu.memref_slice %arg10[%dma_wait3A, %dma_wait3A_82] : memref<80x128xi32, #tpu.memory_space<vmem>> -> memref<60x128xi32, #tpu.memory_space<vmem>>
        %dma_wait3A_84 = arith.constant 20 : i32
        %dma_wait3A_85 = arith.constant 0 : i32
        %dma_wait3A_86 = tpu.memref_slice %arg10[%dma_wait3A_84, %dma_wait3A_85] : memref<80x128xi32, #tpu.memory_space<vmem>> -> memref<60x128xi32, #tpu.memory_space<vmem>>
        tpu.wait_dma2 semaphore(%run_scoped3A : memref<!tpu.dma_semaphore, #tpu.memory_space<semaphore_mem>>) src(%arg6 : memref<60x128xi32, #tpu.memory_space<hbm>>) dst(%dma_wait3A_86 : memref<60x128xi32, #tpu.memory_space<vmem>>)
        tpu.yield
      }) : () -> ()
    } else {
    }
    %mul3A_17 = arith.constant 632 : i32
    %mul3A_18 = arith.muli %arg1, %mul3A_17 : i32
    "tpu.region"() ({
      %run_scoped3A = tpu.sem_alloc : memref<!tpu.dma_semaphore, #tpu.memory_space<semaphore_mem>>
      %dma_start3A_76 = arith.constant 0 : i32
      %dma_start3A_77 = tpu.memref_slice %arg12[%mul3A_18, %dma_start3A_76] : memref<10112x64xf32, #tpu.memory_space<vmem_shared>> -> memref<632x64xf32, #tpu.memory_space<vmem_shared>>
      tpu.enqueue_dma source(%arg7 : memref<632x64xf32, #tpu.memory_space<hbm>>) target(%dma_start3A_77 : memref<632x64xf32, #tpu.memory_space<vmem_shared>>) target_semaphore(%run_scoped3A : memref<!tpu.dma_semaphore, #tpu.memory_space<semaphore_mem>>)
      %dma_wait3A = arith.constant 0 : i32
      %dma_wait3A_78 = tpu.memref_slice %arg12[%mul3A_18, %dma_wait3A] : memref<10112x64xf32, #tpu.memory_space<vmem_shared>> -> memref<632x64xf32, #tpu.memory_space<vmem_shared>>
      tpu.wait_dma2 semaphore(%run_scoped3A : memref<!tpu.dma_semaphore, #tpu.memory_space<semaphore_mem>>) src(%arg7 : memref<632x64xf32, #tpu.memory_space<hbm>>) dst(%dma_wait3A_78 : memref<632x64xf32, #tpu.memory_space<vmem_shared>>)
      tpu.yield
    }) : () -> ()
    %barrier3A = arith.constant 0 : index
    tpu.barrier barrier_id(%barrier3A)
    %dma_start3A = arith.constant 0 : i32
    %dma_start3A_19 = arith.constant 0 : i32
    %dma_start3A_20 = arith.constant 0 : i32
    %dma_start3A_21 = arith.constant 0 : i32
    %dma_start3A_22 = tpu.memref_slice %arg11[%dma_start3A_19, %dma_start3A_20, %dma_start3A_21] : memref<4x128x64xf32, #tpu.memory_space<vmem>> -> memref<1x128x64xf32, #tpu.memory_space<vmem>>
    %dma_start3A_23 = tpu.memref_squeeze %dma_start3A_22 : memref<1x128x64xf32, #tpu.memory_space<vmem>> -> memref<128x64xf32, #tpu.memory_space<vmem>>
    %dma_start3A_24 = arith.constant 0 : i32
    %dma_start3A_25 = tpu.memref_slice %arg9[%dma_start3A, %dma_start3A_24] : memref<80x128xi32, #tpu.memory_space<vmem>> -> memref<1x128xi32, #tpu.memory_space<vmem>>
    %dma_start3A_26 = tpu.memref_squeeze %dma_start3A_25 : memref<1x128xi32, #tpu.memory_space<vmem>> -> memref<128xi32, #tpu.memory_space<vmem>>
    %dma_start3A_27 = arith.constant 0 : i32
    %dma_start3A_28 = arith.constant 0 : i32
    %dma_start3A_29 = tpu.memref_slice %arg2[%dma_start3A_27, %dma_start3A_28] : memref<10000x64xf32, #tpu.memory_space<hbm>> -> memref<10000x64xf32, #tpu.memory_space<hbm>>
    tpu.enqueue_indirect_dma source(%dma_start3A_29 : memref<10000x64xf32, #tpu.memory_space<hbm>>) target(%dma_start3A_23 : memref<128x64xf32, #tpu.memory_space<vmem>>) offsets(%dma_start3A_26 : memref<128xi32, #tpu.memory_space<vmem>>) semaphore(%arg13 : memref<!tpu.dma_semaphore, #tpu.memory_space<semaphore_mem>>)
    %dma_start3A_30 = arith.constant 1 : i32
    %dma_start3A_31 = arith.constant 1 : i32
    %dma_start3A_32 = arith.constant 0 : i32
    %dma_start3A_33 = arith.constant 0 : i32
    %dma_start3A_34 = tpu.memref_slice %arg11[%dma_start3A_31, %dma_start3A_32, %dma_start3A_33] : memref<4x128x64xf32, #tpu.memory_space<vmem>> -> memref<1x128x64xf32, #tpu.memory_space<vmem>>
    %dma_start3A_35 = tpu.memref_squeeze %dma_start3A_34 : memref<1x128x64xf32, #tpu.memory_space<vmem>> -> memref<128x64xf32, #tpu.memory_space<vmem>>
    %dma_start3A_36 = arith.constant 0 : i32
    %dma_start3A_37 = tpu.memref_slice %arg9[%dma_start3A_30, %dma_start3A_36] : memref<80x128xi32, #tpu.memory_space<vmem>> -> memref<1x128xi32, #tpu.memory_space<vmem>>
    %dma_start3A_38 = tpu.memref_squeeze %dma_start3A_37 : memref<1x128xi32, #tpu.memory_space<vmem>> -> memref<128xi32, #tpu.memory_space<vmem>>
    %dma_start3A_39 = arith.constant 0 : i32
    %dma_start3A_40 = arith.constant 0 : i32
    %dma_start3A_41 = tpu.memref_slice %arg2[%dma_start3A_39, %dma_start3A_40] : memref<10000x64xf32, #tpu.memory_space<hbm>> -> memref<10000x64xf32, #tpu.memory_space<hbm>>
    tpu.enqueue_indirect_dma source(%dma_start3A_41 : memref<10000x64xf32, #tpu.memory_space<hbm>>) target(%dma_start3A_35 : memref<128x64xf32, #tpu.memory_space<vmem>>) offsets(%dma_start3A_38 : memref<128xi32, #tpu.memory_space<vmem>>) semaphore(%arg14 : memref<!tpu.dma_semaphore, #tpu.memory_space<semaphore_mem>>)
    %dma_start3A_42 = arith.constant 2 : i32
    %dma_start3A_43 = arith.constant 2 : i32
    %dma_start3A_44 = arith.constant 0 : i32
    %dma_start3A_45 = arith.constant 0 : i32
    %dma_start3A_46 = tpu.memref_slice %arg11[%dma_start3A_43, %dma_start3A_44, %dma_start3A_45] : memref<4x128x64xf32, #tpu.memory_space<vmem>> -> memref<1x128x64xf32, #tpu.memory_space<vmem>>
    %dma_start3A_47 = tpu.memref_squeeze %dma_start3A_46 : memref<1x128x64xf32, #tpu.memory_space<vmem>> -> memref<128x64xf32, #tpu.memory_space<vmem>>
    %dma_start3A_48 = arith.constant 0 : i32
    %dma_start3A_49 = tpu.memref_slice %arg9[%dma_start3A_42, %dma_start3A_48] : memref<80x128xi32, #tpu.memory_space<vmem>> -> memref<1x128xi32, #tpu.memory_space<vmem>>
    %dma_start3A_50 = tpu.memref_squeeze %dma_start3A_49 : memref<1x128xi32, #tpu.memory_space<vmem>> -> memref<128xi32, #tpu.memory_space<vmem>>
    %dma_start3A_51 = arith.constant 0 : i32
    %dma_start3A_52 = arith.constant 0 : i32
    %dma_start3A_53 = tpu.memref_slice %arg2[%dma_start3A_51, %dma_start3A_52] : memref<10000x64xf32, #tpu.memory_space<hbm>> -> memref<10000x64xf32, #tpu.memory_space<hbm>>
    tpu.enqueue_indirect_dma source(%dma_start3A_53 : memref<10000x64xf32, #tpu.memory_space<hbm>>) target(%dma_start3A_47 : memref<128x64xf32, #tpu.memory_space<vmem>>) offsets(%dma_start3A_50 : memref<128xi32, #tpu.memory_space<vmem>>) semaphore(%arg15 : memref<!tpu.dma_semaphore, #tpu.memory_space<semaphore_mem>>)
    %dma_start3A_54 = arith.constant 3 : i32
    %dma_start3A_55 = arith.constant 3 : i32
    %dma_start3A_56 = arith.constant 0 : i32
    %dma_start3A_57 = arith.constant 0 : i32
    %dma_start3A_58 = tpu.memref_slice %arg11[%dma_start3A_55, %dma_start3A_56, %dma_start3A_57] : memref<4x128x64xf32, #tpu.memory_space<vmem>> -> memref<1x128x64xf32, #tpu.memory_space<vmem>>
    %dma_start3A_59 = tpu.memref_squeeze %dma_start3A_58 : memref<1x128x64xf32, #tpu.memory_space<vmem>> -> memref<128x64xf32, #tpu.memory_space<vmem>>
    %dma_start3A_60 = arith.constant 0 : i32
    %dma_start3A_61 = tpu.memref_slice %arg9[%dma_start3A_54, %dma_start3A_60] : memref<80x128xi32, #tpu.memory_space<vmem>> -> memref<1x128xi32, #tpu.memory_space<vmem>>
    %dma_start3A_62 = tpu.memref_squeeze %dma_start3A_61 : memref<1x128xi32, #tpu.memory_space<vmem>> -> memref<128xi32, #tpu.memory_space<vmem>>
    %dma_start3A_63 = arith.constant 0 : i32
    %dma_start3A_64 = arith.constant 0 : i32
    %dma_start3A_65 = tpu.memref_slice %arg2[%dma_start3A_63, %dma_start3A_64] : memref<10000x64xf32, #tpu.memory_space<hbm>> -> memref<10000x64xf32, #tpu.memory_space<hbm>>
    tpu.enqueue_indirect_dma source(%dma_start3A_65 : memref<10000x64xf32, #tpu.memory_space<hbm>>) target(%dma_start3A_59 : memref<128x64xf32, #tpu.memory_space<vmem>>) offsets(%dma_start3A_62 : memref<128xi32, #tpu.memory_space<vmem>>) semaphore(%arg16 : memref<!tpu.dma_semaphore, #tpu.memory_space<semaphore_mem>>)
    %scan3A = arith.constant 0 : i32
    %scan3A_66 = arith.constant 0 : i32
    %scan3A_67 = arith.constant 20 : i32
    %scan3A_68 = arith.addi %scan3A_66, %scan3A_67 : i32
    %scan3A_69 = arith.constant 1 : i32
    scf.for %scan3A_76 = %scan3A_66 to %scan3A_68 step %scan3A_69  : i32 {
      %mul3A_77 = arith.constant 4 : i32
      %mul3A_78 = arith.muli %mul3A_77, %scan3A_76 : i32
      %add3A_79 = arith.constant 0 : i32
      %add3A_80 = arith.addi %mul3A_78, %add3A_79 : i32
      %dma_wait3A = arith.constant 0 : i32
      %dma_wait3A_81 = arith.constant 0 : i32
      %dma_wait3A_82 = arith.constant 0 : i32
      %dma_wait3A_83 = tpu.memref_slice %arg11[%dma_wait3A, %dma_wait3A_81, %dma_wait3A_82] : memref<4x128x64xf32, #tpu.memory_space<vmem>> -> memref<1x128x64xf32, #tpu.memory_space<vmem>>
      %dma_wait3A_84 = tpu.memref_squeeze %dma_wait3A_83 : memref<1x128x64xf32, #tpu.memory_space<vmem>> -> memref<128x64xf32, #tpu.memory_space<vmem>>
      %dma_wait3A_85 = arith.constant 0 : i32
      %dma_wait3A_86 = tpu.memref_slice %arg9[%add3A_80, %dma_wait3A_85] : memref<80x128xi32, #tpu.memory_space<vmem>> -> memref<1x128xi32, #tpu.memory_space<vmem>>
      %dma_wait3A_87 = tpu.memref_squeeze %dma_wait3A_86 : memref<1x128xi32, #tpu.memory_space<vmem>> -> memref<128xi32, #tpu.memory_space<vmem>>
      %dma_wait3A_88 = arith.constant 0 : i32
      %dma_wait3A_89 = arith.constant 0 : i32
      %dma_wait3A_90 = tpu.memref_slice %arg2[%dma_wait3A_88, %dma_wait3A_89] : memref<10000x64xf32, #tpu.memory_space<hbm>> -> memref<10000x64xf32, #tpu.memory_space<hbm>>
      tpu.wait_indirect_dma semaphore(%arg13 : memref<!tpu.dma_semaphore, #tpu.memory_space<semaphore_mem>>) src(%dma_wait3A_90 : memref<10000x64xf32, #tpu.memory_space<hbm>>) dst(%dma_wait3A_84 : memref<128x64xf32, #tpu.memory_space<vmem>>)
      %run_scoped3A = arith.constant 0 : i32
      "tpu.region"() ({
        %run_scoped3A_167 = tpu.sem_alloc : memref<!tpu.dma_semaphore, #tpu.memory_space<semaphore_mem>>
        %dma_start3A_168 = arith.constant 0 : i32
        %dma_start3A_169 = arith.constant 0 : i32
        %dma_start3A_170 = tpu.memref_slice %arg11[%run_scoped3A, %dma_start3A_168, %dma_start3A_169] : memref<4x128x64xf32, #tpu.memory_space<vmem>> -> memref<1x128x64xf32, #tpu.memory_space<vmem>>
        %dma_start3A_171 = tpu.memref_squeeze %dma_start3A_170 : memref<1x128x64xf32, #tpu.memory_space<vmem>> -> memref<128x64xf32, #tpu.memory_space<vmem>>
        %dma_start3A_172 = arith.constant 0 : i32
        %dma_start3A_173 = tpu.memref_slice %arg10[%add3A_80, %dma_start3A_172] : memref<80x128xi32, #tpu.memory_space<vmem>> -> memref<1x128xi32, #tpu.memory_space<vmem>>
        %dma_start3A_174 = tpu.memref_squeeze %dma_start3A_173 : memref<1x128xi32, #tpu.memory_space<vmem>> -> memref<128xi32, #tpu.memory_space<vmem>>
        %dma_start3A_175 = arith.constant 0 : i32
        %dma_start3A_176 = arith.constant 0 : i32
        %dma_start3A_177 = tpu.memref_slice %arg12[%dma_start3A_175, %dma_start3A_176] : memref<10112x64xf32, #tpu.memory_space<vmem_shared>> -> memref<10112x64xf32, #tpu.memory_space<vmem_shared>>
        tpu.enqueue_indirect_dma source(%dma_start3A_171 : memref<128x64xf32, #tpu.memory_space<vmem>>) target(%dma_start3A_177 : memref<10112x64xf32, #tpu.memory_space<vmem_shared>>) offsets(%dma_start3A_174 : memref<128xi32, #tpu.memory_space<vmem>>) semaphore(%run_scoped3A_167 : memref<!tpu.dma_semaphore, #tpu.memory_space<semaphore_mem>>) {add = true}
        %dma_wait3A_178 = arith.constant 0 : i32
        %dma_wait3A_179 = arith.constant 0 : i32
        %dma_wait3A_180 = tpu.memref_slice %arg11[%run_scoped3A, %dma_wait3A_178, %dma_wait3A_179] : memref<4x128x64xf32, #tpu.memory_space<vmem>> -> memref<1x128x64xf32, #tpu.memory_space<vmem>>
        %dma_wait3A_181 = tpu.memref_squeeze %dma_wait3A_180 : memref<1x128x64xf32, #tpu.memory_space<vmem>> -> memref<128x64xf32, #tpu.memory_space<vmem>>
        %dma_wait3A_182 = arith.constant 0 : i32
        %dma_wait3A_183 = tpu.memref_slice %arg10[%add3A_80, %dma_wait3A_182] : memref<80x128xi32, #tpu.memory_space<vmem>> -> memref<1x128xi32, #tpu.memory_space<vmem>>
        %dma_wait3A_184 = tpu.memref_squeeze %dma_wait3A_183 : memref<1x128xi32, #tpu.memory_space<vmem>> -> memref<128xi32, #tpu.memory_space<vmem>>
        %dma_wait3A_185 = arith.constant 0 : i32
        %dma_wait3A_186 = arith.constant 0 : i32
        %dma_wait3A_187 = tpu.memref_slice %arg12[%dma_wait3A_185, %dma_wait3A_186] : memref<10112x64xf32, #tpu.memory_space<vmem_shared>> -> memref<10112x64xf32, #tpu.memory_space<vmem_shared>>
        tpu.wait_indirect_dma semaphore(%run_scoped3A_167 : memref<!tpu.dma_semaphore, #tpu.memory_space<semaphore_mem>>) src(%dma_wait3A_181 : memref<128x64xf32, #tpu.memory_space<vmem>>) dst(%dma_wait3A_187 : memref<10112x64xf32, #tpu.memory_space<vmem_shared>>)
        tpu.yield
      }) : () -> ()
      %add3A_91 = arith.constant 4 : i32
      %add3A_92 = arith.addi %add3A_80, %add3A_91 : i32
      %lt3A_93 = arith.constant 80 : i32
      %lt3A_94 = arith.cmpi slt, %add3A_92, %lt3A_93 : i32
      %convert_element_type3A_95 = arith.extui %lt3A_94 : i1 to i32
      %cond3A_96 = arith.constant 0 : i32
      %cond3A_97 = arith.cmpi ne, %convert_element_type3A_95, %cond3A_96 : i32
      scf.if %cond3A_97 {
        %add3A_167 = arith.constant 4 : i32
        %add3A_168 = arith.addi %add3A_80, %add3A_167 : i32
        %dma_start3A_169 = arith.constant 0 : i32
        %dma_start3A_170 = arith.constant 0 : i32
        %dma_start3A_171 = arith.constant 0 : i32
        %dma_start3A_172 = tpu.memref_slice %arg11[%dma_start3A_169, %dma_start3A_170, %dma_start3A_171] : memref<4x128x64xf32, #tpu.memory_space<vmem>> -> memref<1x128x64xf32, #tpu.memory_space<vmem>>
        %dma_start3A_173 = tpu.memref_squeeze %dma_start3A_172 : memref<1x128x64xf32, #tpu.memory_space<vmem>> -> memref<128x64xf32, #tpu.memory_space<vmem>>
        %dma_start3A_174 = arith.constant 0 : i32
        %dma_start3A_175 = tpu.memref_slice %arg9[%add3A_168, %dma_start3A_174] : memref<80x128xi32, #tpu.memory_space<vmem>> -> memref<1x128xi32, #tpu.memory_space<vmem>>
        %dma_start3A_176 = tpu.memref_squeeze %dma_start3A_175 : memref<1x128xi32, #tpu.memory_space<vmem>> -> memref<128xi32, #tpu.memory_space<vmem>>
        %dma_start3A_177 = arith.constant 0 : i32
        %dma_start3A_178 = arith.constant 0 : i32
        %dma_start3A_179 = tpu.memref_slice %arg2[%dma_start3A_177, %dma_start3A_178] : memref<10000x64xf32, #tpu.memory_space<hbm>> -> memref<10000x64xf32, #tpu.memory_space<hbm>>
        tpu.enqueue_indirect_dma source(%dma_start3A_179 : memref<10000x64xf32, #tpu.memory_space<hbm>>) target(%dma_start3A_173 : memref<128x64xf32, #tpu.memory_space<vmem>>) offsets(%dma_start3A_176 : memref<128xi32, #tpu.memory_space<vmem>>) semaphore(%arg13 : memref<!tpu.dma_semaphore, #tpu.memory_space<semaphore_mem>>)
      } else {
      }
      %mul3A_98 = arith.constant 4 : i32
      %mul3A_99 = arith.muli %mul3A_98, %scan3A_76 : i32
      %add3A_100 = arith.constant 1 : i32
      %add3A_101 = arith.addi %mul3A_99, %add3A_100 : i32
      %dma_wait3A_102 = arith.constant 1 : i32
      %dma_wait3A_103 = arith.constant 0 : i32
      %dma_wait3A_104 = arith.constant 0 : i32
      %dma_wait3A_105 = tpu.memref_slice %arg11[%dma_wait3A_102, %dma_wait3A_103, %dma_wait3A_104] : memref<4x128x64xf32, #tpu.memory_space<vmem>> -> memref<1x128x64xf32, #tpu.memory_space<vmem>>
      %dma_wait3A_106 = tpu.memref_squeeze %dma_wait3A_105 : memref<1x128x64xf32, #tpu.memory_space<vmem>> -> memref<128x64xf32, #tpu.memory_space<vmem>>
      %dma_wait3A_107 = arith.constant 0 : i32
      %dma_wait3A_108 = tpu.memref_slice %arg9[%add3A_101, %dma_wait3A_107] : memref<80x128xi32, #tpu.memory_space<vmem>> -> memref<1x128xi32, #tpu.memory_space<vmem>>
      %dma_wait3A_109 = tpu.memref_squeeze %dma_wait3A_108 : memref<1x128xi32, #tpu.memory_space<vmem>> -> memref<128xi32, #tpu.memory_space<vmem>>
      %dma_wait3A_110 = arith.constant 0 : i32
      %dma_wait3A_111 = arith.constant 0 : i32
      %dma_wait3A_112 = tpu.memref_slice %arg2[%dma_wait3A_110, %dma_wait3A_111] : memref<10000x64xf32, #tpu.memory_space<hbm>> -> memref<10000x64xf32, #tpu.memory_space<hbm>>
      tpu.wait_indirect_dma semaphore(%arg14 : memref<!tpu.dma_semaphore, #tpu.memory_space<semaphore_mem>>) src(%dma_wait3A_112 : memref<10000x64xf32, #tpu.memory_space<hbm>>) dst(%dma_wait3A_106 : memref<128x64xf32, #tpu.memory_space<vmem>>)
      %run_scoped3A_113 = arith.constant 1 : i32
      "tpu.region"() ({
        %run_scoped3A_167 = tpu.sem_alloc : memref<!tpu.dma_semaphore, #tpu.memory_space<semaphore_mem>>
        %dma_start3A_168 = arith.constant 0 : i32
        %dma_start3A_169 = arith.constant 0 : i32
        %dma_start3A_170 = tpu.memref_slice %arg11[%run_scoped3A_113, %dma_start3A_168, %dma_start3A_169] : memref<4x128x64xf32, #tpu.memory_space<vmem>> -> memref<1x128x64xf32, #tpu.memory_space<vmem>>
        %dma_start3A_171 = tpu.memref_squeeze %dma_start3A_170 : memref<1x128x64xf32, #tpu.memory_space<vmem>> -> memref<128x64xf32, #tpu.memory_space<vmem>>
        %dma_start3A_172 = arith.constant 0 : i32
        %dma_start3A_173 = tpu.memref_slice %arg10[%add3A_101, %dma_start3A_172] : memref<80x128xi32, #tpu.memory_space<vmem>> -> memref<1x128xi32, #tpu.memory_space<vmem>>
        %dma_start3A_174 = tpu.memref_squeeze %dma_start3A_173 : memref<1x128xi32, #tpu.memory_space<vmem>> -> memref<128xi32, #tpu.memory_space<vmem>>
        %dma_start3A_175 = arith.constant 0 : i32
        %dma_start3A_176 = arith.constant 0 : i32
        %dma_start3A_177 = tpu.memref_slice %arg12[%dma_start3A_175, %dma_start3A_176] : memref<10112x64xf32, #tpu.memory_space<vmem_shared>> -> memref<10112x64xf32, #tpu.memory_space<vmem_shared>>
        tpu.enqueue_indirect_dma source(%dma_start3A_171 : memref<128x64xf32, #tpu.memory_space<vmem>>) target(%dma_start3A_177 : memref<10112x64xf32, #tpu.memory_space<vmem_shared>>) offsets(%dma_start3A_174 : memref<128xi32, #tpu.memory_space<vmem>>) semaphore(%run_scoped3A_167 : memref<!tpu.dma_semaphore, #tpu.memory_space<semaphore_mem>>) {add = true}
        %dma_wait3A_178 = arith.constant 0 : i32
        %dma_wait3A_179 = arith.constant 0 : i32
        %dma_wait3A_180 = tpu.memref_slice %arg11[%run_scoped3A_113, %dma_wait3A_178, %dma_wait3A_179] : memref<4x128x64xf32, #tpu.memory_space<vmem>> -> memref<1x128x64xf32, #tpu.memory_space<vmem>>
        %dma_wait3A_181 = tpu.memref_squeeze %dma_wait3A_180 : memref<1x128x64xf32, #tpu.memory_space<vmem>> -> memref<128x64xf32, #tpu.memory_space<vmem>>
        %dma_wait3A_182 = arith.constant 0 : i32
        %dma_wait3A_183 = tpu.memref_slice %arg10[%add3A_101, %dma_wait3A_182] : memref<80x128xi32, #tpu.memory_space<vmem>> -> memref<1x128xi32, #tpu.memory_space<vmem>>
        %dma_wait3A_184 = tpu.memref_squeeze %dma_wait3A_183 : memref<1x128xi32, #tpu.memory_space<vmem>> -> memref<128xi32, #tpu.memory_space<vmem>>
        %dma_wait3A_185 = arith.constant 0 : i32
        %dma_wait3A_186 = arith.constant 0 : i32
        %dma_wait3A_187 = tpu.memref_slice %arg12[%dma_wait3A_185, %dma_wait3A_186] : memref<10112x64xf32, #tpu.memory_space<vmem_shared>> -> memref<10112x64xf32, #tpu.memory_space<vmem_shared>>
        tpu.wait_indirect_dma semaphore(%run_scoped3A_167 : memref<!tpu.dma_semaphore, #tpu.memory_space<semaphore_mem>>) src(%dma_wait3A_181 : memref<128x64xf32, #tpu.memory_space<vmem>>) dst(%dma_wait3A_187 : memref<10112x64xf32, #tpu.memory_space<vmem_shared>>)
        tpu.yield
      }) : () -> ()
      %add3A_114 = arith.constant 4 : i32
      %add3A_115 = arith.addi %add3A_101, %add3A_114 : i32
      %lt3A_116 = arith.constant 80 : i32
      %lt3A_117 = arith.cmpi slt, %add3A_115, %lt3A_116 : i32
      %convert_element_type3A_118 = arith.extui %lt3A_117 : i1 to i32
      %cond3A_119 = arith.constant 0 : i32
      %cond3A_120 = arith.cmpi ne, %convert_element_type3A_118, %cond3A_119 : i32
      scf.if %cond3A_120 {
        %add3A_167 = arith.constant 4 : i32
        %add3A_168 = arith.addi %add3A_101, %add3A_167 : i32
        %dma_start3A_169 = arith.constant 1 : i32
        %dma_start3A_170 = arith.constant 0 : i32
        %dma_start3A_171 = arith.constant 0 : i32
        %dma_start3A_172 = tpu.memref_slice %arg11[%dma_start3A_169, %dma_start3A_170, %dma_start3A_171] : memref<4x128x64xf32, #tpu.memory_space<vmem>> -> memref<1x128x64xf32, #tpu.memory_space<vmem>>
        %dma_start3A_173 = tpu.memref_squeeze %dma_start3A_172 : memref<1x128x64xf32, #tpu.memory_space<vmem>> -> memref<128x64xf32, #tpu.memory_space<vmem>>
        %dma_start3A_174 = arith.constant 0 : i32
        %dma_start3A_175 = tpu.memref_slice %arg9[%add3A_168, %dma_start3A_174] : memref<80x128xi32, #tpu.memory_space<vmem>> -> memref<1x128xi32, #tpu.memory_space<vmem>>
        %dma_start3A_176 = tpu.memref_squeeze %dma_start3A_175 : memref<1x128xi32, #tpu.memory_space<vmem>> -> memref<128xi32, #tpu.memory_space<vmem>>
        %dma_start3A_177 = arith.constant 0 : i32
        %dma_start3A_178 = arith.constant 0 : i32
        %dma_start3A_179 = tpu.memref_slice %arg2[%dma_start3A_177, %dma_start3A_178] : memref<10000x64xf32, #tpu.memory_space<hbm>> -> memref<10000x64xf32, #tpu.memory_space<hbm>>
        tpu.enqueue_indirect_dma source(%dma_start3A_179 : memref<10000x64xf32, #tpu.memory_space<hbm>>) target(%dma_start3A_173 : memref<128x64xf32, #tpu.memory_space<vmem>>) offsets(%dma_start3A_176 : memref<128xi32, #tpu.memory_space<vmem>>) semaphore(%arg14 : memref<!tpu.dma_semaphore, #tpu.memory_space<semaphore_mem>>)
      } else {
      }
      %mul3A_121 = arith.constant 4 : i32
      %mul3A_122 = arith.muli %mul3A_121, %scan3A_76 : i32
      %add3A_123 = arith.constant 2 : i32
      %add3A_124 = arith.addi %mul3A_122, %add3A_123 : i32
      %dma_wait3A_125 = arith.constant 2 : i32
      %dma_wait3A_126 = arith.constant 0 : i32
      %dma_wait3A_127 = arith.constant 0 : i32
      %dma_wait3A_128 = tpu.memref_slice %arg11[%dma_wait3A_125, %dma_wait3A_126, %dma_wait3A_127] : memref<4x128x64xf32, #tpu.memory_space<vmem>> -> memref<1x128x64xf32, #tpu.memory_space<vmem>>
      %dma_wait3A_129 = tpu.memref_squeeze %dma_wait3A_128 : memref<1x128x64xf32, #tpu.memory_space<vmem>> -> memref<128x64xf32, #tpu.memory_space<vmem>>
      %dma_wait3A_130 = arith.constant 0 : i32
      %dma_wait3A_131 = tpu.memref_slice %arg9[%add3A_124, %dma_wait3A_130] : memref<80x128xi32, #tpu.memory_space<vmem>> -> memref<1x128xi32, #tpu.memory_space<vmem>>
      %dma_wait3A_132 = tpu.memref_squeeze %dma_wait3A_131 : memref<1x128xi32, #tpu.memory_space<vmem>> -> memref<128xi32, #tpu.memory_space<vmem>>
      %dma_wait3A_133 = arith.constant 0 : i32
      %dma_wait3A_134 = arith.constant 0 : i32
      %dma_wait3A_135 = tpu.memref_slice %arg2[%dma_wait3A_133, %dma_wait3A_134] : memref<10000x64xf32, #tpu.memory_space<hbm>> -> memref<10000x64xf32, #tpu.memory_space<hbm>>
      tpu.wait_indirect_dma semaphore(%arg15 : memref<!tpu.dma_semaphore, #tpu.memory_space<semaphore_mem>>) src(%dma_wait3A_135 : memref<10000x64xf32, #tpu.memory_space<hbm>>) dst(%dma_wait3A_129 : memref<128x64xf32, #tpu.memory_space<vmem>>)
      %run_scoped3A_136 = arith.constant 2 : i32
      "tpu.region"() ({
        %run_scoped3A_167 = tpu.sem_alloc : memref<!tpu.dma_semaphore, #tpu.memory_space<semaphore_mem>>
        %dma_start3A_168 = arith.constant 0 : i32
        %dma_start3A_169 = arith.constant 0 : i32
        %dma_start3A_170 = tpu.memref_slice %arg11[%run_scoped3A_136, %dma_start3A_168, %dma_start3A_169] : memref<4x128x64xf32, #tpu.memory_space<vmem>> -> memref<1x128x64xf32, #tpu.memory_space<vmem>>
        %dma_start3A_171 = tpu.memref_squeeze %dma_start3A_170 : memref<1x128x64xf32, #tpu.memory_space<vmem>> -> memref<128x64xf32, #tpu.memory_space<vmem>>
        %dma_start3A_172 = arith.constant 0 : i32
        %dma_start3A_173 = tpu.memref_slice %arg10[%add3A_124, %dma_start3A_172] : memref<80x128xi32, #tpu.memory_space<vmem>> -> memref<1x128xi32, #tpu.memory_space<vmem>>
        %dma_start3A_174 = tpu.memref_squeeze %dma_start3A_173 : memref<1x128xi32, #tpu.memory_space<vmem>> -> memref<128xi32, #tpu.memory_space<vmem>>
        %dma_start3A_175 = arith.constant 0 : i32
        %dma_start3A_176 = arith.constant 0 : i32
        %dma_start3A_177 = tpu.memref_slice %arg12[%dma_start3A_175, %dma_start3A_176] : memref<10112x64xf32, #tpu.memory_space<vmem_shared>> -> memref<10112x64xf32, #tpu.memory_space<vmem_shared>>
        tpu.enqueue_indirect_dma source(%dma_start3A_171 : memref<128x64xf32, #tpu.memory_space<vmem>>) target(%dma_start3A_177 : memref<10112x64xf32, #tpu.memory_space<vmem_shared>>) offsets(%dma_start3A_174 : memref<128xi32, #tpu.memory_space<vmem>>) semaphore(%run_scoped3A_167 : memref<!tpu.dma_semaphore, #tpu.memory_space<semaphore_mem>>) {add = true}
        %dma_wait3A_178 = arith.constant 0 : i32
        %dma_wait3A_179 = arith.constant 0 : i32
        %dma_wait3A_180 = tpu.memref_slice %arg11[%run_scoped3A_136, %dma_wait3A_178, %dma_wait3A_179] : memref<4x128x64xf32, #tpu.memory_space<vmem>> -> memref<1x128x64xf32, #tpu.memory_space<vmem>>
        %dma_wait3A_181 = tpu.memref_squeeze %dma_wait3A_180 : memref<1x128x64xf32, #tpu.memory_space<vmem>> -> memref<128x64xf32, #tpu.memory_space<vmem>>
        %dma_wait3A_182 = arith.constant 0 : i32
        %dma_wait3A_183 = tpu.memref_slice %arg10[%add3A_124, %dma_wait3A_182] : memref<80x128xi32, #tpu.memory_space<vmem>> -> memref<1x128xi32, #tpu.memory_space<vmem>>
        %dma_wait3A_184 = tpu.memref_squeeze %dma_wait3A_183 : memref<1x128xi32, #tpu.memory_space<vmem>> -> memref<128xi32, #tpu.memory_space<vmem>>
        %dma_wait3A_185 = arith.constant 0 : i32
        %dma_wait3A_186 = arith.constant 0 : i32
        %dma_wait3A_187 = tpu.memref_slice %arg12[%dma_wait3A_185, %dma_wait3A_186] : memref<10112x64xf32, #tpu.memory_space<vmem_shared>> -> memref<10112x64xf32, #tpu.memory_space<vmem_shared>>
        tpu.wait_indirect_dma semaphore(%run_scoped3A_167 : memref<!tpu.dma_semaphore, #tpu.memory_space<semaphore_mem>>) src(%dma_wait3A_181 : memref<128x64xf32, #tpu.memory_space<vmem>>) dst(%dma_wait3A_187 : memref<10112x64xf32, #tpu.memory_space<vmem_shared>>)
        tpu.yield
      }) : () -> ()
      %add3A_137 = arith.constant 4 : i32
      %add3A_138 = arith.addi %add3A_124, %add3A_137 : i32
      %lt3A_139 = arith.constant 80 : i32
      %lt3A_140 = arith.cmpi slt, %add3A_138, %lt3A_139 : i32
      %convert_element_type3A_141 = arith.extui %lt3A_140 : i1 to i32
      %cond3A_142 = arith.constant 0 : i32
      %cond3A_143 = arith.cmpi ne, %convert_element_type3A_141, %cond3A_142 : i32
      scf.if %cond3A_143 {
        %add3A_167 = arith.constant 4 : i32
        %add3A_168 = arith.addi %add3A_124, %add3A_167 : i32
        %dma_start3A_169 = arith.constant 2 : i32
        %dma_start3A_170 = arith.constant 0 : i32
        %dma_start3A_171 = arith.constant 0 : i32
        %dma_start3A_172 = tpu.memref_slice %arg11[%dma_start3A_169, %dma_start3A_170, %dma_start3A_171] : memref<4x128x64xf32, #tpu.memory_space<vmem>> -> memref<1x128x64xf32, #tpu.memory_space<vmem>>
        %dma_start3A_173 = tpu.memref_squeeze %dma_start3A_172 : memref<1x128x64xf32, #tpu.memory_space<vmem>> -> memref<128x64xf32, #tpu.memory_space<vmem>>
        %dma_start3A_174 = arith.constant 0 : i32
        %dma_start3A_175 = tpu.memref_slice %arg9[%add3A_168, %dma_start3A_174] : memref<80x128xi32, #tpu.memory_space<vmem>> -> memref<1x128xi32, #tpu.memory_space<vmem>>
        %dma_start3A_176 = tpu.memref_squeeze %dma_start3A_175 : memref<1x128xi32, #tpu.memory_space<vmem>> -> memref<128xi32, #tpu.memory_space<vmem>>
        %dma_start3A_177 = arith.constant 0 : i32
        %dma_start3A_178 = arith.constant 0 : i32
        %dma_start3A_179 = tpu.memref_slice %arg2[%dma_start3A_177, %dma_start3A_178] : memref<10000x64xf32, #tpu.memory_space<hbm>> -> memref<10000x64xf32, #tpu.memory_space<hbm>>
        tpu.enqueue_indirect_dma source(%dma_start3A_179 : memref<10000x64xf32, #tpu.memory_space<hbm>>) target(%dma_start3A_173 : memref<128x64xf32, #tpu.memory_space<vmem>>) offsets(%dma_start3A_176 : memref<128xi32, #tpu.memory_space<vmem>>) semaphore(%arg15 : memref<!tpu.dma_semaphore, #tpu.memory_space<semaphore_mem>>)
      } else {
      }
      %mul3A_144 = arith.constant 4 : i32
      %mul3A_145 = arith.muli %mul3A_144, %scan3A_76 : i32
      %add3A_146 = arith.constant 3 : i32
      %add3A_147 = arith.addi %mul3A_145, %add3A_146 : i32
      %dma_wait3A_148 = arith.constant 3 : i32
      %dma_wait3A_149 = arith.constant 0 : i32
      %dma_wait3A_150 = arith.constant 0 : i32
      %dma_wait3A_151 = tpu.memref_slice %arg11[%dma_wait3A_148, %dma_wait3A_149, %dma_wait3A_150] : memref<4x128x64xf32, #tpu.memory_space<vmem>> -> memref<1x128x64xf32, #tpu.memory_space<vmem>>
      %dma_wait3A_152 = tpu.memref_squeeze %dma_wait3A_151 : memref<1x128x64xf32, #tpu.memory_space<vmem>> -> memref<128x64xf32, #tpu.memory_space<vmem>>
      %dma_wait3A_153 = arith.constant 0 : i32
      %dma_wait3A_154 = tpu.memref_slice %arg9[%add3A_147, %dma_wait3A_153] : memref<80x128xi32, #tpu.memory_space<vmem>> -> memref<1x128xi32, #tpu.memory_space<vmem>>
      %dma_wait3A_155 = tpu.memref_squeeze %dma_wait3A_154 : memref<1x128xi32, #tpu.memory_space<vmem>> -> memref<128xi32, #tpu.memory_space<vmem>>
      %dma_wait3A_156 = arith.constant 0 : i32
      %dma_wait3A_157 = arith.constant 0 : i32
      %dma_wait3A_158 = tpu.memref_slice %arg2[%dma_wait3A_156, %dma_wait3A_157] : memref<10000x64xf32, #tpu.memory_space<hbm>> -> memref<10000x64xf32, #tpu.memory_space<hbm>>
      tpu.wait_indirect_dma semaphore(%arg16 : memref<!tpu.dma_semaphore, #tpu.memory_space<semaphore_mem>>) src(%dma_wait3A_158 : memref<10000x64xf32, #tpu.memory_space<hbm>>) dst(%dma_wait3A_152 : memref<128x64xf32, #tpu.memory_space<vmem>>)
      %run_scoped3A_159 = arith.constant 3 : i32
      "tpu.region"() ({
        %run_scoped3A_167 = tpu.sem_alloc : memref<!tpu.dma_semaphore, #tpu.memory_space<semaphore_mem>>
        %dma_start3A_168 = arith.constant 0 : i32
        %dma_start3A_169 = arith.constant 0 : i32
        %dma_start3A_170 = tpu.memref_slice %arg11[%run_scoped3A_159, %dma_start3A_168, %dma_start3A_169] : memref<4x128x64xf32, #tpu.memory_space<vmem>> -> memref<1x128x64xf32, #tpu.memory_space<vmem>>
        %dma_start3A_171 = tpu.memref_squeeze %dma_start3A_170 : memref<1x128x64xf32, #tpu.memory_space<vmem>> -> memref<128x64xf32, #tpu.memory_space<vmem>>
        %dma_start3A_172 = arith.constant 0 : i32
        %dma_start3A_173 = tpu.memref_slice %arg10[%add3A_147, %dma_start3A_172] : memref<80x128xi32, #tpu.memory_space<vmem>> -> memref<1x128xi32, #tpu.memory_space<vmem>>
        %dma_start3A_174 = tpu.memref_squeeze %dma_start3A_173 : memref<1x128xi32, #tpu.memory_space<vmem>> -> memref<128xi32, #tpu.memory_space<vmem>>
        %dma_start3A_175 = arith.constant 0 : i32
        %dma_start3A_176 = arith.constant 0 : i32
        %dma_start3A_177 = tpu.memref_slice %arg12[%dma_start3A_175, %dma_start3A_176] : memref<10112x64xf32, #tpu.memory_space<vmem_shared>> -> memref<10112x64xf32, #tpu.memory_space<vmem_shared>>
        tpu.enqueue_indirect_dma source(%dma_start3A_171 : memref<128x64xf32, #tpu.memory_space<vmem>>) target(%dma_start3A_177 : memref<10112x64xf32, #tpu.memory_space<vmem_shared>>) offsets(%dma_start3A_174 : memref<128xi32, #tpu.memory_space<vmem>>) semaphore(%run_scoped3A_167 : memref<!tpu.dma_semaphore, #tpu.memory_space<semaphore_mem>>) {add = true}
        %dma_wait3A_178 = arith.constant 0 : i32
        %dma_wait3A_179 = arith.constant 0 : i32
        %dma_wait3A_180 = tpu.memref_slice %arg11[%run_scoped3A_159, %dma_wait3A_178, %dma_wait3A_179] : memref<4x128x64xf32, #tpu.memory_space<vmem>> -> memref<1x128x64xf32, #tpu.memory_space<vmem>>
        %dma_wait3A_181 = tpu.memref_squeeze %dma_wait3A_180 : memref<1x128x64xf32, #tpu.memory_space<vmem>> -> memref<128x64xf32, #tpu.memory_space<vmem>>
        %dma_wait3A_182 = arith.constant 0 : i32
        %dma_wait3A_183 = tpu.memref_slice %arg10[%add3A_147, %dma_wait3A_182] : memref<80x128xi32, #tpu.memory_space<vmem>> -> memref<1x128xi32, #tpu.memory_space<vmem>>
        %dma_wait3A_184 = tpu.memref_squeeze %dma_wait3A_183 : memref<1x128xi32, #tpu.memory_space<vmem>> -> memref<128xi32, #tpu.memory_space<vmem>>
        %dma_wait3A_185 = arith.constant 0 : i32
        %dma_wait3A_186 = arith.constant 0 : i32
        %dma_wait3A_187 = tpu.memref_slice %arg12[%dma_wait3A_185, %dma_wait3A_186] : memref<10112x64xf32, #tpu.memory_space<vmem_shared>> -> memref<10112x64xf32, #tpu.memory_space<vmem_shared>>
        tpu.wait_indirect_dma semaphore(%run_scoped3A_167 : memref<!tpu.dma_semaphore, #tpu.memory_space<semaphore_mem>>) src(%dma_wait3A_181 : memref<128x64xf32, #tpu.memory_space<vmem>>) dst(%dma_wait3A_187 : memref<10112x64xf32, #tpu.memory_space<vmem_shared>>)
        tpu.yield
      }) : () -> ()
      %add3A_160 = arith.constant 4 : i32
      %add3A_161 = arith.addi %add3A_147, %add3A_160 : i32
      %lt3A_162 = arith.constant 80 : i32
      %lt3A_163 = arith.cmpi slt, %add3A_161, %lt3A_162 : i32
      %convert_element_type3A_164 = arith.extui %lt3A_163 : i1 to i32
      %cond3A_165 = arith.constant 0 : i32
      %cond3A_166 = arith.cmpi ne, %convert_element_type3A_164, %cond3A_165 : i32
      scf.if %cond3A_166 {
        %add3A_167 = arith.constant 4 : i32
        %add3A_168 = arith.addi %add3A_147, %add3A_167 : i32
        %dma_start3A_169 = arith.constant 3 : i32
        %dma_start3A_170 = arith.constant 0 : i32
        %dma_start3A_171 = arith.constant 0 : i32
        %dma_start3A_172 = tpu.memref_slice %arg11[%dma_start3A_169, %dma_start3A_170, %dma_start3A_171] : memref<4x128x64xf32, #tpu.memory_space<vmem>> -> memref<1x128x64xf32, #tpu.memory_space<vmem>>
        %dma_start3A_173 = tpu.memref_squeeze %dma_start3A_172 : memref<1x128x64xf32, #tpu.memory_space<vmem>> -> memref<128x64xf32, #tpu.memory_space<vmem>>
        %dma_start3A_174 = arith.constant 0 : i32
        %dma_start3A_175 = tpu.memref_slice %arg9[%add3A_168, %dma_start3A_174] : memref<80x128xi32, #tpu.memory_space<vmem>> -> memref<1x128xi32, #tpu.memory_space<vmem>>
        %dma_start3A_176 = tpu.memref_squeeze %dma_start3A_175 : memref<1x128xi32, #tpu.memory_space<vmem>> -> memref<128xi32, #tpu.memory_space<vmem>>
        %dma_start3A_177 = arith.constant 0 : i32
        %dma_start3A_178 = arith.constant 0 : i32
        %dma_start3A_179 = tpu.memref_slice %arg2[%dma_start3A_177, %dma_start3A_178] : memref<10000x64xf32, #tpu.memory_space<hbm>> -> memref<10000x64xf32, #tpu.memory_space<hbm>>
        tpu.enqueue_indirect_dma source(%dma_start3A_179 : memref<10000x64xf32, #tpu.memory_space<hbm>>) target(%dma_start3A_173 : memref<128x64xf32, #tpu.memory_space<vmem>>) offsets(%dma_start3A_176 : memref<128xi32, #tpu.memory_space<vmem>>) semaphore(%arg16 : memref<!tpu.dma_semaphore, #tpu.memory_space<semaphore_mem>>)
      } else {
      }
    }
    %scan3A_70 = arith.constant 20 : i32
    %barrier3A_71 = arith.constant 0 : index
    tpu.barrier barrier_id(%barrier3A_71)
    %mul3A_72 = arith.constant 632 : i32
    %mul3A_73 = arith.muli %arg1, %mul3A_72 : i32
    %mul3A_74 = arith.constant 632 : i32
    %mul3A_75 = arith.muli %arg1, %mul3A_74 : i32
    "tpu.region"() ({
      %run_scoped3A = tpu.sem_alloc : memref<!tpu.dma_semaphore, #tpu.memory_space<semaphore_mem>>
      %dma_start3A_76 = arith.constant 0 : i32
      %dma_start3A_77 = tpu.memref_slice %arg8[%arg0, %mul3A_75, %dma_start3A_76] : memref<2x10112x64xf32, #tpu.memory_space<hbm>> -> memref<1x632x64xf32, #tpu.memory_space<hbm>>
      %dma_start3A_78 = tpu.memref_squeeze %dma_start3A_77 : memref<1x632x64xf32, #tpu.memory_space<hbm>> -> memref<632x64xf32, #tpu.memory_space<hbm>>
      %dma_start3A_79 = arith.constant 0 : i32
      %dma_start3A_80 = tpu.memref_slice %arg12[%mul3A_73, %dma_start3A_79] : memref<10112x64xf32, #tpu.memory_space<vmem_shared>> -> memref<632x64xf32, #tpu.memory_space<vmem_shared>>
      tpu.enqueue_dma source(%dma_start3A_80 : memref<632x64xf32, #tpu.memory_space<vmem_shared>>) target(%dma_start3A_78 : memref<632x64xf32, #tpu.memory_space<hbm>>) target_semaphore(%run_scoped3A : memref<!tpu.dma_semaphore, #tpu.memory_space<semaphore_mem>>)
      %dma_wait3A = arith.constant 0 : i32
      %dma_wait3A_81 = tpu.memref_slice %arg8[%arg0, %mul3A_75, %dma_wait3A] : memref<2x10112x64xf32, #tpu.memory_space<hbm>> -> memref<1x632x64xf32, #tpu.memory_space<hbm>>
      %dma_wait3A_82 = tpu.memref_squeeze %dma_wait3A_81 : memref<1x632x64xf32, #tpu.memory_space<hbm>> -> memref<632x64xf32, #tpu.memory_space<hbm>>
      %dma_wait3A_83 = arith.constant 0 : i32
      %dma_wait3A_84 = tpu.memref_slice %arg12[%mul3A_73, %dma_wait3A_83] : memref<10112x64xf32, #tpu.memory_space<vmem_shared>> -> memref<632x64xf32, #tpu.memory_space<vmem_shared>>
      tpu.wait_dma2 semaphore(%run_scoped3A : memref<!tpu.dma_semaphore, #tpu.memory_space<semaphore_mem>>) src(%dma_wait3A_84 : memref<632x64xf32, #tpu.memory_space<vmem_shared>>) dst(%dma_wait3A_82 : memref<632x64xf32, #tpu.memory_space<hbm>>)
      tpu.yield
    }) : () -> ()
    return
  }
}

#map = affine_map<(d0, d1) -> (0, 0)>
#map1 = affine_map<(d0, d1) -> (0, 0, 0)>
module attributes {stable_mosaic.version = 14 : i64} {
  func.func @deg_k(%arg0: i32, %arg1: i32, %arg2: memref<2500x128xi32, #tpu.memory_space<hbm>>, %arg3: memref<60x128xi32, #tpu.memory_space<hbm>>, %arg4: memref<128x64xf32, #tpu.memory_space<hbm>>, %arg5: memref<632x64xf32, #tpu.memory_space<hbm>>, %arg6: memref<2x10112x64xf32, #tpu.memory_space<hbm>>, %arg7: memref<80x128xi32, #tpu.memory_space<vmem>>, %arg8: memref<128x64xf32, #tpu.memory_space<vmem>>, %arg9: memref<10112x64xf32, #tpu.memory_space<vmem_shared>>) attributes {dimension_semantics = [#tpu.dimension_semantics<core_parallel>, #tpu.dimension_semantics<subcore_parallel>], iteration_bounds = array<i64: 2, 16>, scalar_prefetch = 0 : i64, scratch_operands = 3 : i64, tpu.core_type = #tpu.core_type<sc_vector_subcore>, window_params = [{transform_indices = #map}, {transform_indices = #map}, {transform_indices = #map}, {transform_indices = #map}, {transform_indices = #map1}]} {
    %mul3A = arith.constant 16 : i32
    %mul3A_0 = arith.muli %arg0, %mul3A : i32
    %add3A = arith.addi %mul3A_0, %arg1 : i32
    %lt3A = arith.constant 31 : i32
    %lt3A_1 = arith.cmpi slt, %add3A, %lt3A : i32
    %convert_element_type3A = arith.extui %lt3A_1 : i1 to i32
    %cond3A = arith.constant 0 : i32
    %cond3A_2 = arith.cmpi ne, %convert_element_type3A, %cond3A : i32
    scf.if %cond3A_2 {
      %mul3A_19 = arith.constant 80 : i32
      %mul3A_20 = arith.muli %add3A, %mul3A_19 : i32
      "tpu.region"() ({
        %run_scoped3A = tpu.sem_alloc : memref<!tpu.dma_semaphore, #tpu.memory_space<semaphore_mem>>
        %dma_start3A = arith.constant 0 : i32
        %dma_start3A_21 = tpu.memref_slice %arg2[%mul3A_20, %dma_start3A] : memref<2500x128xi32, #tpu.memory_space<hbm>> -> memref<80x128xi32, #tpu.memory_space<hbm>>
        %dma_start3A_22 = arith.constant 0 : i32
        %dma_start3A_23 = tpu.memref_slice %arg2[%mul3A_20, %dma_start3A_22] : memref<2500x128xi32, #tpu.memory_space<hbm>> -> memref<80x128xi32, #tpu.memory_space<hbm>>
        tpu.enqueue_dma source(%dma_start3A_23 : memref<80x128xi32, #tpu.memory_space<hbm>>) target(%arg7 : memref<80x128xi32, #tpu.memory_space<vmem>>) target_semaphore(%run_scoped3A : memref<!tpu.dma_semaphore, #tpu.memory_space<semaphore_mem>>)
        %dma_wait3A = arith.constant 0 : i32
        %dma_wait3A_24 = tpu.memref_slice %arg2[%mul3A_20, %dma_wait3A] : memref<2500x128xi32, #tpu.memory_space<hbm>> -> memref<80x128xi32, #tpu.memory_space<hbm>>
        %dma_wait3A_25 = arith.constant 0 : i32
        %dma_wait3A_26 = tpu.memref_slice %arg2[%mul3A_20, %dma_wait3A_25] : memref<2500x128xi32, #tpu.memory_space<hbm>> -> memref<80x128xi32, #tpu.memory_space<hbm>>
        tpu.wait_dma2 semaphore(%run_scoped3A : memref<!tpu.dma_semaphore, #tpu.memory_space<semaphore_mem>>) src(%dma_wait3A_26 : memref<80x128xi32, #tpu.memory_space<hbm>>) dst(%arg7 : memref<80x128xi32, #tpu.memory_space<vmem>>)
        tpu.yield
      }) : () -> ()
    } else {
    }
    %eq3A = arith.constant 31 : i32
    %eq3A_3 = arith.cmpi eq, %add3A, %eq3A : i32
    %convert_element_type3A_4 = arith.extui %eq3A_3 : i1 to i32
    %cond3A_5 = arith.constant 0 : i32
    %cond3A_6 = arith.cmpi ne, %convert_element_type3A_4, %cond3A_5 : i32
    scf.if %cond3A_6 {
      "tpu.region"() ({
        %run_scoped3A = tpu.sem_alloc : memref<!tpu.dma_semaphore, #tpu.memory_space<semaphore_mem>>
        %dma_start3A = arith.constant 0 : i32
        %dma_start3A_19 = arith.constant 0 : i32
        %dma_start3A_20 = tpu.memref_slice %arg7[%dma_start3A, %dma_start3A_19] : memref<80x128xi32, #tpu.memory_space<vmem>> -> memref<20x128xi32, #tpu.memory_space<vmem>>
        %dma_start3A_21 = arith.constant 2480 : i32
        %dma_start3A_22 = arith.constant 0 : i32
        %dma_start3A_23 = tpu.memref_slice %arg2[%dma_start3A_21, %dma_start3A_22] : memref<2500x128xi32, #tpu.memory_space<hbm>> -> memref<20x128xi32, #tpu.memory_space<hbm>>
        %dma_start3A_24 = arith.constant 0 : i32
        %dma_start3A_25 = arith.constant 0 : i32
        %dma_start3A_26 = tpu.memref_slice %arg7[%dma_start3A_24, %dma_start3A_25] : memref<80x128xi32, #tpu.memory_space<vmem>> -> memref<20x128xi32, #tpu.memory_space<vmem>>
        %dma_start3A_27 = arith.constant 2480 : i32
        %dma_start3A_28 = arith.constant 0 : i32
        %dma_start3A_29 = tpu.memref_slice %arg2[%dma_start3A_27, %dma_start3A_28] : memref<2500x128xi32, #tpu.memory_space<hbm>> -> memref<20x128xi32, #tpu.memory_space<hbm>>
        tpu.enqueue_dma source(%dma_start3A_29 : memref<20x128xi32, #tpu.memory_space<hbm>>) target(%dma_start3A_26 : memref<20x128xi32, #tpu.memory_space<vmem>>) target_semaphore(%run_scoped3A : memref<!tpu.dma_semaphore, #tpu.memory_space<semaphore_mem>>)
        %dma_wait3A = arith.constant 0 : i32
        %dma_wait3A_30 = arith.constant 0 : i32
        %dma_wait3A_31 = tpu.memref_slice %arg7[%dma_wait3A, %dma_wait3A_30] : memref<80x128xi32, #tpu.memory_space<vmem>> -> memref<20x128xi32, #tpu.memory_space<vmem>>
        %dma_wait3A_32 = arith.constant 2480 : i32
        %dma_wait3A_33 = arith.constant 0 : i32
        %dma_wait3A_34 = tpu.memref_slice %arg2[%dma_wait3A_32, %dma_wait3A_33] : memref<2500x128xi32, #tpu.memory_space<hbm>> -> memref<20x128xi32, #tpu.memory_space<hbm>>
        %dma_wait3A_35 = arith.constant 0 : i32
        %dma_wait3A_36 = arith.constant 0 : i32
        %dma_wait3A_37 = tpu.memref_slice %arg7[%dma_wait3A_35, %dma_wait3A_36] : memref<80x128xi32, #tpu.memory_space<vmem>> -> memref<20x128xi32, #tpu.memory_space<vmem>>
        %dma_wait3A_38 = arith.constant 2480 : i32
        %dma_wait3A_39 = arith.constant 0 : i32
        %dma_wait3A_40 = tpu.memref_slice %arg2[%dma_wait3A_38, %dma_wait3A_39] : memref<2500x128xi32, #tpu.memory_space<hbm>> -> memref<20x128xi32, #tpu.memory_space<hbm>>
        tpu.wait_dma2 semaphore(%run_scoped3A : memref<!tpu.dma_semaphore, #tpu.memory_space<semaphore_mem>>) src(%dma_wait3A_40 : memref<20x128xi32, #tpu.memory_space<hbm>>) dst(%dma_wait3A_37 : memref<20x128xi32, #tpu.memory_space<vmem>>)
        tpu.yield
      }) : () -> ()
      "tpu.region"() ({
        %run_scoped3A = tpu.sem_alloc : memref<!tpu.dma_semaphore, #tpu.memory_space<semaphore_mem>>
        %dma_start3A = arith.constant 20 : i32
        %dma_start3A_19 = arith.constant 0 : i32
        %dma_start3A_20 = tpu.memref_slice %arg7[%dma_start3A, %dma_start3A_19] : memref<80x128xi32, #tpu.memory_space<vmem>> -> memref<60x128xi32, #tpu.memory_space<vmem>>
        %dma_start3A_21 = arith.constant 20 : i32
        %dma_start3A_22 = arith.constant 0 : i32
        %dma_start3A_23 = tpu.memref_slice %arg7[%dma_start3A_21, %dma_start3A_22] : memref<80x128xi32, #tpu.memory_space<vmem>> -> memref<60x128xi32, #tpu.memory_space<vmem>>
        tpu.enqueue_dma source(%arg3 : memref<60x128xi32, #tpu.memory_space<hbm>>) target(%dma_start3A_23 : memref<60x128xi32, #tpu.memory_space<vmem>>) target_semaphore(%run_scoped3A : memref<!tpu.dma_semaphore, #tpu.memory_space<semaphore_mem>>)
        %dma_wait3A = arith.constant 20 : i32
        %dma_wait3A_24 = arith.constant 0 : i32
        %dma_wait3A_25 = tpu.memref_slice %arg7[%dma_wait3A, %dma_wait3A_24] : memref<80x128xi32, #tpu.memory_space<vmem>> -> memref<60x128xi32, #tpu.memory_space<vmem>>
        %dma_wait3A_26 = arith.constant 20 : i32
        %dma_wait3A_27 = arith.constant 0 : i32
        %dma_wait3A_28 = tpu.memref_slice %arg7[%dma_wait3A_26, %dma_wait3A_27] : memref<80x128xi32, #tpu.memory_space<vmem>> -> memref<60x128xi32, #tpu.memory_space<vmem>>
        tpu.wait_dma2 semaphore(%run_scoped3A : memref<!tpu.dma_semaphore, #tpu.memory_space<semaphore_mem>>) src(%arg3 : memref<60x128xi32, #tpu.memory_space<hbm>>) dst(%dma_wait3A_28 : memref<60x128xi32, #tpu.memory_space<vmem>>)
        tpu.yield
      }) : () -> ()
    } else {
    }
    "tpu.region"() ({
      %run_scoped3A = tpu.sem_alloc : memref<!tpu.dma_semaphore, #tpu.memory_space<semaphore_mem>>
      tpu.enqueue_dma source(%arg4 : memref<128x64xf32, #tpu.memory_space<hbm>>) target(%arg8 : memref<128x64xf32, #tpu.memory_space<vmem>>) target_semaphore(%run_scoped3A : memref<!tpu.dma_semaphore, #tpu.memory_space<semaphore_mem>>)
      tpu.wait_dma2 semaphore(%run_scoped3A : memref<!tpu.dma_semaphore, #tpu.memory_space<semaphore_mem>>) src(%arg4 : memref<128x64xf32, #tpu.memory_space<hbm>>) dst(%arg8 : memref<128x64xf32, #tpu.memory_space<vmem>>)
      tpu.yield
    }) : () -> ()
    %mul3A_7 = arith.constant 632 : i32
    %mul3A_8 = arith.muli %arg1, %mul3A_7 : i32
    "tpu.region"() ({
      %run_scoped3A = tpu.sem_alloc : memref<!tpu.dma_semaphore, #tpu.memory_space<semaphore_mem>>
      %dma_start3A = arith.constant 0 : i32
      %dma_start3A_19 = tpu.memref_slice %arg9[%mul3A_8, %dma_start3A] : memref<10112x64xf32, #tpu.memory_space<vmem_shared>> -> memref<632x64xf32, #tpu.memory_space<vmem_shared>>
      tpu.enqueue_dma source(%arg5 : memref<632x64xf32, #tpu.memory_space<hbm>>) target(%dma_start3A_19 : memref<632x64xf32, #tpu.memory_space<vmem_shared>>) target_semaphore(%run_scoped3A : memref<!tpu.dma_semaphore, #tpu.memory_space<semaphore_mem>>)
      %dma_wait3A = arith.constant 0 : i32
      %dma_wait3A_20 = tpu.memref_slice %arg9[%mul3A_8, %dma_wait3A] : memref<10112x64xf32, #tpu.memory_space<vmem_shared>> -> memref<632x64xf32, #tpu.memory_space<vmem_shared>>
      tpu.wait_dma2 semaphore(%run_scoped3A : memref<!tpu.dma_semaphore, #tpu.memory_space<semaphore_mem>>) src(%arg5 : memref<632x64xf32, #tpu.memory_space<hbm>>) dst(%dma_wait3A_20 : memref<632x64xf32, #tpu.memory_space<vmem_shared>>)
      tpu.yield
    }) : () -> ()
    %barrier3A = arith.constant 0 : index
    tpu.barrier barrier_id(%barrier3A)
    %scan3A = arith.constant 0 : i32
    %scan3A_9 = arith.constant 0 : i32
    %scan3A_10 = arith.constant 80 : i32
    %scan3A_11 = arith.addi %scan3A_9, %scan3A_10 : i32
    %scan3A_12 = arith.constant 1 : i32
    scf.for %scan3A_19 = %scan3A_9 to %scan3A_11 step %scan3A_12  : i32 {
      "tpu.region"() ({
        %run_scoped3A = tpu.sem_alloc : memref<!tpu.dma_semaphore, #tpu.memory_space<semaphore_mem>>
        %dma_start3A = arith.constant 0 : i32
        %dma_start3A_20 = tpu.memref_slice %arg7[%scan3A_19, %dma_start3A] : memref<80x128xi32, #tpu.memory_space<vmem>> -> memref<1x128xi32, #tpu.memory_space<vmem>>
        %dma_start3A_21 = tpu.memref_squeeze %dma_start3A_20 : memref<1x128xi32, #tpu.memory_space<vmem>> -> memref<128xi32, #tpu.memory_space<vmem>>
        %dma_start3A_22 = arith.constant 0 : i32
        %dma_start3A_23 = arith.constant 0 : i32
        %dma_start3A_24 = tpu.memref_slice %arg9[%dma_start3A_22, %dma_start3A_23] : memref<10112x64xf32, #tpu.memory_space<vmem_shared>> -> memref<10112x64xf32, #tpu.memory_space<vmem_shared>>
        tpu.enqueue_indirect_dma source(%arg8 : memref<128x64xf32, #tpu.memory_space<vmem>>) target(%dma_start3A_24 : memref<10112x64xf32, #tpu.memory_space<vmem_shared>>) offsets(%dma_start3A_21 : memref<128xi32, #tpu.memory_space<vmem>>) semaphore(%run_scoped3A : memref<!tpu.dma_semaphore, #tpu.memory_space<semaphore_mem>>) {add = true}
        %dma_wait3A = arith.constant 0 : i32
        %dma_wait3A_25 = tpu.memref_slice %arg7[%scan3A_19, %dma_wait3A] : memref<80x128xi32, #tpu.memory_space<vmem>> -> memref<1x128xi32, #tpu.memory_space<vmem>>
        %dma_wait3A_26 = tpu.memref_squeeze %dma_wait3A_25 : memref<1x128xi32, #tpu.memory_space<vmem>> -> memref<128xi32, #tpu.memory_space<vmem>>
        %dma_wait3A_27 = arith.constant 0 : i32
        %dma_wait3A_28 = arith.constant 0 : i32
        %dma_wait3A_29 = tpu.memref_slice %arg9[%dma_wait3A_27, %dma_wait3A_28] : memref<10112x64xf32, #tpu.memory_space<vmem_shared>> -> memref<10112x64xf32, #tpu.memory_space<vmem_shared>>
        tpu.wait_indirect_dma semaphore(%run_scoped3A : memref<!tpu.dma_semaphore, #tpu.memory_space<semaphore_mem>>) src(%arg8 : memref<128x64xf32, #tpu.memory_space<vmem>>) dst(%dma_wait3A_29 : memref<10112x64xf32, #tpu.memory_space<vmem_shared>>)
        tpu.yield
      }) : () -> ()
    }
    %scan3A_13 = arith.constant 80 : i32
    %barrier3A_14 = arith.constant 0 : index
    tpu.barrier barrier_id(%barrier3A_14)
    %mul3A_15 = arith.constant 632 : i32
    %mul3A_16 = arith.muli %arg1, %mul3A_15 : i32
    %mul3A_17 = arith.constant 632 : i32
    %mul3A_18 = arith.muli %arg1, %mul3A_17 : i32
    "tpu.region"() ({
      %run_scoped3A = tpu.sem_alloc : memref<!tpu.dma_semaphore, #tpu.memory_space<semaphore_mem>>
      %dma_start3A = arith.constant 0 : i32
      %dma_start3A_19 = tpu.memref_slice %arg6[%arg0, %mul3A_18, %dma_start3A] : memref<2x10112x64xf32, #tpu.memory_space<hbm>> -> memref<1x632x64xf32, #tpu.memory_space<hbm>>
      %dma_start3A_20 = tpu.memref_squeeze %dma_start3A_19 : memref<1x632x64xf32, #tpu.memory_space<hbm>> -> memref<632x64xf32, #tpu.memory_space<hbm>>
      %dma_start3A_21 = arith.constant 0 : i32
      %dma_start3A_22 = tpu.memref_slice %arg9[%mul3A_16, %dma_start3A_21] : memref<10112x64xf32, #tpu.memory_space<vmem_shared>> -> memref<632x64xf32, #tpu.memory_space<vmem_shared>>
      tpu.enqueue_dma source(%dma_start3A_22 : memref<632x64xf32, #tpu.memory_space<vmem_shared>>) target(%dma_start3A_20 : memref<632x64xf32, #tpu.memory_space<hbm>>) target_semaphore(%run_scoped3A : memref<!tpu.dma_semaphore, #tpu.memory_space<semaphore_mem>>)
      %dma_wait3A = arith.constant 0 : i32
      %dma_wait3A_23 = tpu.memref_slice %arg6[%arg0, %mul3A_18, %dma_wait3A] : memref<2x10112x64xf32, #tpu.memory_space<hbm>> -> memref<1x632x64xf32, #tpu.memory_space<hbm>>
      %dma_wait3A_24 = tpu.memref_squeeze %dma_wait3A_23 : memref<1x632x64xf32, #tpu.memory_space<hbm>> -> memref<632x64xf32, #tpu.memory_space<hbm>>
      %dma_wait3A_25 = arith.constant 0 : i32
      %dma_wait3A_26 = tpu.memref_slice %arg9[%mul3A_16, %dma_wait3A_25] : memref<10112x64xf32, #tpu.memory_space<vmem_shared>> -> memref<632x64xf32, #tpu.memory_space<vmem_shared>>
      tpu.wait_dma2 semaphore(%run_scoped3A : memref<!tpu.dma_semaphore, #tpu.memory_space<semaphore_mem>>) src(%dma_wait3A_26 : memref<632x64xf32, #tpu.memory_space<vmem_shared>>) dst(%dma_wait3A_24 : memref<632x64xf32, #tpu.memory_space<hbm>>)
      tpu.yield
    }) : () -> ()
    return
  }
}

#map = affine_map<(d0, d1) -> (0, 0)>
#map1 = affine_map<(d0, d1) -> (0, 0, 0)>
module attributes {stable_mosaic.version = 14 : i64} {
  func.func @agg_k(%arg0: i32, %arg1: i32, %arg2: memref<10000x64xf32, #tpu.memory_space<hbm>>, %arg3: memref<2500x128xi32, #tpu.memory_space<hbm>>, %arg4: memref<2500x128xi32, #tpu.memory_space<hbm>>, %arg5: memref<60x128xi32, #tpu.memory_space<hbm>>, %arg6: memref<60x128xi32, #tpu.memory_space<hbm>>, %arg7: memref<632x64xf32, #tpu.memory_space<hbm>>, %arg8: memref<2x10112x64xf32, #tpu.memory_space<hbm>>, %arg9: memref<80x128xi32, #tpu.memory_space<vmem>>, %arg10: memref<80x128xi32, #tpu.memory_space<vmem>>, %arg11: memref<4x128x64xf32, #tpu.memory_space<vmem>>, %arg12: memref<10112x64xf32, #tpu.memory_space<vmem_shared>>, %arg13: memref<!tpu.dma_semaphore, #tpu.memory_space<semaphore_mem>>, %arg14: memref<!tpu.dma_semaphore, #tpu.memory_space<semaphore_mem>>, %arg15: memref<!tpu.dma_semaphore, #tpu.memory_space<semaphore_mem>>, %arg16: memref<!tpu.dma_semaphore, #tpu.memory_space<semaphore_mem>>) attributes {dimension_semantics = [#tpu.dimension_semantics<core_parallel>, #tpu.dimension_semantics<subcore_parallel>], iteration_bounds = array<i64: 2, 16>, scalar_prefetch = 0 : i64, scratch_operands = 8 : i64, tpu.core_type = #tpu.core_type<sc_vector_subcore>, window_params = [{transform_indices = #map}, {transform_indices = #map}, {transform_indices = #map}, {transform_indices = #map}, {transform_indices = #map}, {transform_indices = #map}, {transform_indices = #map1}]} {
    %mul3A = arith.constant 16 : i32
    %mul3A_0 = arith.muli %arg0, %mul3A : i32
    %add3A = arith.addi %mul3A_0, %arg1 : i32
    %lt3A = arith.constant 31 : i32
    %lt3A_1 = arith.cmpi slt, %add3A, %lt3A : i32
    %convert_element_type3A = arith.extui %lt3A_1 : i1 to i32
    %cond3A = arith.constant 0 : i32
    %cond3A_2 = arith.cmpi ne, %convert_element_type3A, %cond3A : i32
    scf.if %cond3A_2 {
      %mul3A_76 = arith.constant 80 : i32
      %mul3A_77 = arith.muli %add3A, %mul3A_76 : i32
      "tpu.region"() ({
        %run_scoped3A = tpu.sem_alloc : memref<!tpu.dma_semaphore, #tpu.memory_space<semaphore_mem>>
        %dma_start3A_78 = arith.constant 0 : i32
        %dma_start3A_79 = tpu.memref_slice %arg3[%mul3A_77, %dma_start3A_78] : memref<2500x128xi32, #tpu.memory_space<hbm>> -> memref<80x128xi32, #tpu.memory_space<hbm>>
        %dma_start3A_80 = arith.constant 0 : i32
        %dma_start3A_81 = tpu.memref_slice %arg3[%mul3A_77, %dma_start3A_80] : memref<2500x128xi32, #tpu.memory_space<hbm>> -> memref<80x128xi32, #tpu.memory_space<hbm>>
        tpu.enqueue_dma source(%dma_start3A_81 : memref<80x128xi32, #tpu.memory_space<hbm>>) target(%arg9 : memref<80x128xi32, #tpu.memory_space<vmem>>) target_semaphore(%run_scoped3A : memref<!tpu.dma_semaphore, #tpu.memory_space<semaphore_mem>>)
        %dma_wait3A = arith.constant 0 : i32
        %dma_wait3A_82 = tpu.memref_slice %arg3[%mul3A_77, %dma_wait3A] : memref<2500x128xi32, #tpu.memory_space<hbm>> -> memref<80x128xi32, #tpu.memory_space<hbm>>
        %dma_wait3A_83 = arith.constant 0 : i32
        %dma_wait3A_84 = tpu.memref_slice %arg3[%mul3A_77, %dma_wait3A_83] : memref<2500x128xi32, #tpu.memory_space<hbm>> -> memref<80x128xi32, #tpu.memory_space<hbm>>
        tpu.wait_dma2 semaphore(%run_scoped3A : memref<!tpu.dma_semaphore, #tpu.memory_space<semaphore_mem>>) src(%dma_wait3A_84 : memref<80x128xi32, #tpu.memory_space<hbm>>) dst(%arg9 : memref<80x128xi32, #tpu.memory_space<vmem>>)
        tpu.yield
      }) : () -> ()
    } else {
    }
    %eq3A = arith.constant 31 : i32
    %eq3A_3 = arith.cmpi eq, %add3A, %eq3A : i32
    %convert_element_type3A_4 = arith.extui %eq3A_3 : i1 to i32
    %cond3A_5 = arith.constant 0 : i32
    %cond3A_6 = arith.cmpi ne, %convert_element_type3A_4, %cond3A_5 : i32
    scf.if %cond3A_6 {
      "tpu.region"() ({
        %run_scoped3A = tpu.sem_alloc : memref<!tpu.dma_semaphore, #tpu.memory_space<semaphore_mem>>
        %dma_start3A_76 = arith.constant 0 : i32
        %dma_start3A_77 = arith.constant 0 : i32
        %dma_start3A_78 = tpu.memref_slice %arg9[%dma_start3A_76, %dma_start3A_77] : memref<80x128xi32, #tpu.memory_space<vmem>> -> memref<20x128xi32, #tpu.memory_space<vmem>>
        %dma_start3A_79 = arith.constant 2480 : i32
        %dma_start3A_80 = arith.constant 0 : i32
        %dma_start3A_81 = tpu.memref_slice %arg3[%dma_start3A_79, %dma_start3A_80] : memref<2500x128xi32, #tpu.memory_space<hbm>> -> memref<20x128xi32, #tpu.memory_space<hbm>>
        %dma_start3A_82 = arith.constant 0 : i32
        %dma_start3A_83 = arith.constant 0 : i32
        %dma_start3A_84 = tpu.memref_slice %arg9[%dma_start3A_82, %dma_start3A_83] : memref<80x128xi32, #tpu.memory_space<vmem>> -> memref<20x128xi32, #tpu.memory_space<vmem>>
        %dma_start3A_85 = arith.constant 2480 : i32
        %dma_start3A_86 = arith.constant 0 : i32
        %dma_start3A_87 = tpu.memref_slice %arg3[%dma_start3A_85, %dma_start3A_86] : memref<2500x128xi32, #tpu.memory_space<hbm>> -> memref<20x128xi32, #tpu.memory_space<hbm>>
        tpu.enqueue_dma source(%dma_start3A_87 : memref<20x128xi32, #tpu.memory_space<hbm>>) target(%dma_start3A_84 : memref<20x128xi32, #tpu.memory_space<vmem>>) target_semaphore(%run_scoped3A : memref<!tpu.dma_semaphore, #tpu.memory_space<semaphore_mem>>)
        %dma_wait3A = arith.constant 0 : i32
        %dma_wait3A_88 = arith.constant 0 : i32
        %dma_wait3A_89 = tpu.memref_slice %arg9[%dma_wait3A, %dma_wait3A_88] : memref<80x128xi32, #tpu.memory_space<vmem>> -> memref<20x128xi32, #tpu.memory_space<vmem>>
        %dma_wait3A_90 = arith.constant 2480 : i32
        %dma_wait3A_91 = arith.constant 0 : i32
        %dma_wait3A_92 = tpu.memref_slice %arg3[%dma_wait3A_90, %dma_wait3A_91] : memref<2500x128xi32, #tpu.memory_space<hbm>> -> memref<20x128xi32, #tpu.memory_space<hbm>>
        %dma_wait3A_93 = arith.constant 0 : i32
        %dma_wait3A_94 = arith.constant 0 : i32
        %dma_wait3A_95 = tpu.memref_slice %arg9[%dma_wait3A_93, %dma_wait3A_94] : memref<80x128xi32, #tpu.memory_space<vmem>> -> memref<20x128xi32, #tpu.memory_space<vmem>>
        %dma_wait3A_96 = arith.constant 2480 : i32
        %dma_wait3A_97 = arith.constant 0 : i32
        %dma_wait3A_98 = tpu.memref_slice %arg3[%dma_wait3A_96, %dma_wait3A_97] : memref<2500x128xi32, #tpu.memory_space<hbm>> -> memref<20x128xi32, #tpu.memory_space<hbm>>
        tpu.wait_dma2 semaphore(%run_scoped3A : memref<!tpu.dma_semaphore, #tpu.memory_space<semaphore_mem>>) src(%dma_wait3A_98 : memref<20x128xi32, #tpu.memory_space<hbm>>) dst(%dma_wait3A_95 : memref<20x128xi32, #tpu.memory_space<vmem>>)
        tpu.yield
      }) : () -> ()
      "tpu.region"() ({
        %run_scoped3A = tpu.sem_alloc : memref<!tpu.dma_semaphore, #tpu.memory_space<semaphore_mem>>
        %dma_start3A_76 = arith.constant 20 : i32
        %dma_start3A_77 = arith.constant 0 : i32
        %dma_start3A_78 = tpu.memref_slice %arg9[%dma_start3A_76, %dma_start3A_77] : memref<80x128xi32, #tpu.memory_space<vmem>> -> memref<60x128xi32, #tpu.memory_space<vmem>>
        %dma_start3A_79 = arith.constant 20 : i32
        %dma_start3A_80 = arith.constant 0 : i32
        %dma_start3A_81 = tpu.memref_slice %arg9[%dma_start3A_79, %dma_start3A_80] : memref<80x128xi32, #tpu.memory_space<vmem>> -> memref<60x128xi32, #tpu.memory_space<vmem>>
        tpu.enqueue_dma source(%arg5 : memref<60x128xi32, #tpu.memory_space<hbm>>) target(%dma_start3A_81 : memref<60x128xi32, #tpu.memory_space<vmem>>) target_semaphore(%run_scoped3A : memref<!tpu.dma_semaphore, #tpu.memory_space<semaphore_mem>>)
        %dma_wait3A = arith.constant 20 : i32
        %dma_wait3A_82 = arith.constant 0 : i32
        %dma_wait3A_83 = tpu.memref_slice %arg9[%dma_wait3A, %dma_wait3A_82] : memref<80x128xi32, #tpu.memory_space<vmem>> -> memref<60x128xi32, #tpu.memory_space<vmem>>
        %dma_wait3A_84 = arith.constant 20 : i32
        %dma_wait3A_85 = arith.constant 0 : i32
        %dma_wait3A_86 = tpu.memref_slice %arg9[%dma_wait3A_84, %dma_wait3A_85] : memref<80x128xi32, #tpu.memory_space<vmem>> -> memref<60x128xi32, #tpu.memory_space<vmem>>
        tpu.wait_dma2 semaphore(%run_scoped3A : memref<!tpu.dma_semaphore, #tpu.memory_space<semaphore_mem>>) src(%arg5 : memref<60x128xi32, #tpu.memory_space<hbm>>) dst(%dma_wait3A_86 : memref<60x128xi32, #tpu.memory_space<vmem>>)
        tpu.yield
      }) : () -> ()
    } else {
    }
    %lt3A_7 = arith.constant 31 : i32
    %lt3A_8 = arith.cmpi slt, %add3A, %lt3A_7 : i32
    %convert_element_type3A_9 = arith.extui %lt3A_8 : i1 to i32
    %cond3A_10 = arith.constant 0 : i32
    %cond3A_11 = arith.cmpi ne, %convert_element_type3A_9, %cond3A_10 : i32
    scf.if %cond3A_11 {
      %mul3A_76 = arith.constant 80 : i32
      %mul3A_77 = arith.muli %add3A, %mul3A_76 : i32
      "tpu.region"() ({
        %run_scoped3A = tpu.sem_alloc : memref<!tpu.dma_semaphore, #tpu.memory_space<semaphore_mem>>
        %dma_start3A_78 = arith.constant 0 : i32
        %dma_start3A_79 = tpu.memref_slice %arg4[%mul3A_77, %dma_start3A_78] : memref<2500x128xi32, #tpu.memory_space<hbm>> -> memref<80x128xi32, #tpu.memory_space<hbm>>
        %dma_start3A_80 = arith.constant 0 : i32
        %dma_start3A_81 = tpu.memref_slice %arg4[%mul3A_77, %dma_start3A_80] : memref<2500x128xi32, #tpu.memory_space<hbm>> -> memref<80x128xi32, #tpu.memory_space<hbm>>
        tpu.enqueue_dma source(%dma_start3A_81 : memref<80x128xi32, #tpu.memory_space<hbm>>) target(%arg10 : memref<80x128xi32, #tpu.memory_space<vmem>>) target_semaphore(%run_scoped3A : memref<!tpu.dma_semaphore, #tpu.memory_space<semaphore_mem>>)
        %dma_wait3A = arith.constant 0 : i32
        %dma_wait3A_82 = tpu.memref_slice %arg4[%mul3A_77, %dma_wait3A] : memref<2500x128xi32, #tpu.memory_space<hbm>> -> memref<80x128xi32, #tpu.memory_space<hbm>>
        %dma_wait3A_83 = arith.constant 0 : i32
        %dma_wait3A_84 = tpu.memref_slice %arg4[%mul3A_77, %dma_wait3A_83] : memref<2500x128xi32, #tpu.memory_space<hbm>> -> memref<80x128xi32, #tpu.memory_space<hbm>>
        tpu.wait_dma2 semaphore(%run_scoped3A : memref<!tpu.dma_semaphore, #tpu.memory_space<semaphore_mem>>) src(%dma_wait3A_84 : memref<80x128xi32, #tpu.memory_space<hbm>>) dst(%arg10 : memref<80x128xi32, #tpu.memory_space<vmem>>)
        tpu.yield
      }) : () -> ()
    } else {
    }
    %eq3A_12 = arith.constant 31 : i32
    %eq3A_13 = arith.cmpi eq, %add3A, %eq3A_12 : i32
    %convert_element_type3A_14 = arith.extui %eq3A_13 : i1 to i32
    %cond3A_15 = arith.constant 0 : i32
    %cond3A_16 = arith.cmpi ne, %convert_element_type3A_14, %cond3A_15 : i32
    scf.if %cond3A_16 {
      "tpu.region"() ({
        %run_scoped3A = tpu.sem_alloc : memref<!tpu.dma_semaphore, #tpu.memory_space<semaphore_mem>>
        %dma_start3A_76 = arith.constant 0 : i32
        %dma_start3A_77 = arith.constant 0 : i32
        %dma_start3A_78 = tpu.memref_slice %arg10[%dma_start3A_76, %dma_start3A_77] : memref<80x128xi32, #tpu.memory_space<vmem>> -> memref<20x128xi32, #tpu.memory_space<vmem>>
        %dma_start3A_79 = arith.constant 2480 : i32
        %dma_start3A_80 = arith.constant 0 : i32
        %dma_start3A_81 = tpu.memref_slice %arg4[%dma_start3A_79, %dma_start3A_80] : memref<2500x128xi32, #tpu.memory_space<hbm>> -> memref<20x128xi32, #tpu.memory_space<hbm>>
        %dma_start3A_82 = arith.constant 0 : i32
        %dma_start3A_83 = arith.constant 0 : i32
        %dma_start3A_84 = tpu.memref_slice %arg10[%dma_start3A_82, %dma_start3A_83] : memref<80x128xi32, #tpu.memory_space<vmem>> -> memref<20x128xi32, #tpu.memory_space<vmem>>
        %dma_start3A_85 = arith.constant 2480 : i32
        %dma_start3A_86 = arith.constant 0 : i32
        %dma_start3A_87 = tpu.memref_slice %arg4[%dma_start3A_85, %dma_start3A_86] : memref<2500x128xi32, #tpu.memory_space<hbm>> -> memref<20x128xi32, #tpu.memory_space<hbm>>
        tpu.enqueue_dma source(%dma_start3A_87 : memref<20x128xi32, #tpu.memory_space<hbm>>) target(%dma_start3A_84 : memref<20x128xi32, #tpu.memory_space<vmem>>) target_semaphore(%run_scoped3A : memref<!tpu.dma_semaphore, #tpu.memory_space<semaphore_mem>>)
        %dma_wait3A = arith.constant 0 : i32
        %dma_wait3A_88 = arith.constant 0 : i32
        %dma_wait3A_89 = tpu.memref_slice %arg10[%dma_wait3A, %dma_wait3A_88] : memref<80x128xi32, #tpu.memory_space<vmem>> -> memref<20x128xi32, #tpu.memory_space<vmem>>
        %dma_wait3A_90 = arith.constant 2480 : i32
        %dma_wait3A_91 = arith.constant 0 : i32
        %dma_wait3A_92 = tpu.memref_slice %arg4[%dma_wait3A_90, %dma_wait3A_91] : memref<2500x128xi32, #tpu.memory_space<hbm>> -> memref<20x128xi32, #tpu.memory_space<hbm>>
        %dma_wait3A_93 = arith.constant 0 : i32
        %dma_wait3A_94 = arith.constant 0 : i32
        %dma_wait3A_95 = tpu.memref_slice %arg10[%dma_wait3A_93, %dma_wait3A_94] : memref<80x128xi32, #tpu.memory_space<vmem>> -> memref<20x128xi32, #tpu.memory_space<vmem>>
        %dma_wait3A_96 = arith.constant 2480 : i32
        %dma_wait3A_97 = arith.constant 0 : i32
        %dma_wait3A_98 = tpu.memref_slice %arg4[%dma_wait3A_96, %dma_wait3A_97] : memref<2500x128xi32, #tpu.memory_space<hbm>> -> memref<20x128xi32, #tpu.memory_space<hbm>>
        tpu.wait_dma2 semaphore(%run_scoped3A : memref<!tpu.dma_semaphore, #tpu.memory_space<semaphore_mem>>) src(%dma_wait3A_98 : memref<20x128xi32, #tpu.memory_space<hbm>>) dst(%dma_wait3A_95 : memref<20x128xi32, #tpu.memory_space<vmem>>)
        tpu.yield
      }) : () -> ()
      "tpu.region"() ({
        %run_scoped3A = tpu.sem_alloc : memref<!tpu.dma_semaphore, #tpu.memory_space<semaphore_mem>>
        %dma_start3A_76 = arith.constant 20 : i32
        %dma_start3A_77 = arith.constant 0 : i32
        %dma_start3A_78 = tpu.memref_slice %arg10[%dma_start3A_76, %dma_start3A_77] : memref<80x128xi32, #tpu.memory_space<vmem>> -> memref<60x128xi32, #tpu.memory_space<vmem>>
        %dma_start3A_79 = arith.constant 20 : i32
        %dma_start3A_80 = arith.constant 0 : i32
        %dma_start3A_81 = tpu.memref_slice %arg10[%dma_start3A_79, %dma_start3A_80] : memref<80x128xi32, #tpu.memory_space<vmem>> -> memref<60x128xi32, #tpu.memory_space<vmem>>
        tpu.enqueue_dma source(%arg6 : memref<60x128xi32, #tpu.memory_space<hbm>>) target(%dma_start3A_81 : memref<60x128xi32, #tpu.memory_space<vmem>>) target_semaphore(%run_scoped3A : memref<!tpu.dma_semaphore, #tpu.memory_space<semaphore_mem>>)
        %dma_wait3A = arith.constant 20 : i32
        %dma_wait3A_82 = arith.constant 0 : i32
        %dma_wait3A_83 = tpu.memref_slice %arg10[%dma_wait3A, %dma_wait3A_82] : memref<80x128xi32, #tpu.memory_space<vmem>> -> memref<60x128xi32, #tpu.memory_space<vmem>>
        %dma_wait3A_84 = arith.constant 20 : i32
        %dma_wait3A_85 = arith.constant 0 : i32
        %dma_wait3A_86 = tpu.memref_slice %arg10[%dma_wait3A_84, %dma_wait3A_85] : memref<80x128xi32, #tpu.memory_space<vmem>> -> memref<60x128xi32, #tpu.memory_space<vmem>>
        tpu.wait_dma2 semaphore(%run_scoped3A : memref<!tpu.dma_semaphore, #tpu.memory_space<semaphore_mem>>) src(%arg6 : memref<60x128xi32, #tpu.memory_space<hbm>>) dst(%dma_wait3A_86 : memref<60x128xi32, #tpu.memory_space<vmem>>)
        tpu.yield
      }) : () -> ()
    } else {
    }
    %mul3A_17 = arith.constant 632 : i32
    %mul3A_18 = arith.muli %arg1, %mul3A_17 : i32
    "tpu.region"() ({
      %run_scoped3A = tpu.sem_alloc : memref<!tpu.dma_semaphore, #tpu.memory_space<semaphore_mem>>
      %dma_start3A_76 = arith.constant 0 : i32
      %dma_start3A_77 = tpu.memref_slice %arg12[%mul3A_18, %dma_start3A_76] : memref<10112x64xf32, #tpu.memory_space<vmem_shared>> -> memref<632x64xf32, #tpu.memory_space<vmem_shared>>
      tpu.enqueue_dma source(%arg7 : memref<632x64xf32, #tpu.memory_space<hbm>>) target(%dma_start3A_77 : memref<632x64xf32, #tpu.memory_space<vmem_shared>>) target_semaphore(%run_scoped3A : memref<!tpu.dma_semaphore, #tpu.memory_space<semaphore_mem>>)
      %dma_wait3A = arith.constant 0 : i32
      %dma_wait3A_78 = tpu.memref_slice %arg12[%mul3A_18, %dma_wait3A] : memref<10112x64xf32, #tpu.memory_space<vmem_shared>> -> memref<632x64xf32, #tpu.memory_space<vmem_shared>>
      tpu.wait_dma2 semaphore(%run_scoped3A : memref<!tpu.dma_semaphore, #tpu.memory_space<semaphore_mem>>) src(%arg7 : memref<632x64xf32, #tpu.memory_space<hbm>>) dst(%dma_wait3A_78 : memref<632x64xf32, #tpu.memory_space<vmem_shared>>)
      tpu.yield
    }) : () -> ()
    %barrier3A = arith.constant 0 : index
    tpu.barrier barrier_id(%barrier3A)
    %dma_start3A = arith.constant 0 : i32
    %dma_start3A_19 = arith.constant 0 : i32
    %dma_start3A_20 = arith.constant 0 : i32
    %dma_start3A_21 = arith.constant 0 : i32
    %dma_start3A_22 = tpu.memref_slice %arg11[%dma_start3A_19, %dma_start3A_20, %dma_start3A_21] : memref<4x128x64xf32, #tpu.memory_space<vmem>> -> memref<1x128x64xf32, #tpu.memory_space<vmem>>
    %dma_start3A_23 = tpu.memref_squeeze %dma_start3A_22 : memref<1x128x64xf32, #tpu.memory_space<vmem>> -> memref<128x64xf32, #tpu.memory_space<vmem>>
    %dma_start3A_24 = arith.constant 0 : i32
    %dma_start3A_25 = tpu.memref_slice %arg9[%dma_start3A, %dma_start3A_24] : memref<80x128xi32, #tpu.memory_space<vmem>> -> memref<1x128xi32, #tpu.memory_space<vmem>>
    %dma_start3A_26 = tpu.memref_squeeze %dma_start3A_25 : memref<1x128xi32, #tpu.memory_space<vmem>> -> memref<128xi32, #tpu.memory_space<vmem>>
    %dma_start3A_27 = arith.constant 0 : i32
    %dma_start3A_28 = arith.constant 0 : i32
    %dma_start3A_29 = tpu.memref_slice %arg2[%dma_start3A_27, %dma_start3A_28] : memref<10000x64xf32, #tpu.memory_space<hbm>> -> memref<10000x64xf32, #tpu.memory_space<hbm>>
    tpu.enqueue_indirect_dma source(%dma_start3A_29 : memref<10000x64xf32, #tpu.memory_space<hbm>>) target(%dma_start3A_23 : memref<128x64xf32, #tpu.memory_space<vmem>>) offsets(%dma_start3A_26 : memref<128xi32, #tpu.memory_space<vmem>>) semaphore(%arg13 : memref<!tpu.dma_semaphore, #tpu.memory_space<semaphore_mem>>)
    %dma_start3A_30 = arith.constant 1 : i32
    %dma_start3A_31 = arith.constant 1 : i32
    %dma_start3A_32 = arith.constant 0 : i32
    %dma_start3A_33 = arith.constant 0 : i32
    %dma_start3A_34 = tpu.memref_slice %arg11[%dma_start3A_31, %dma_start3A_32, %dma_start3A_33] : memref<4x128x64xf32, #tpu.memory_space<vmem>> -> memref<1x128x64xf32, #tpu.memory_space<vmem>>
    %dma_start3A_35 = tpu.memref_squeeze %dma_start3A_34 : memref<1x128x64xf32, #tpu.memory_space<vmem>> -> memref<128x64xf32, #tpu.memory_space<vmem>>
    %dma_start3A_36 = arith.constant 0 : i32
    %dma_start3A_37 = tpu.memref_slice %arg9[%dma_start3A_30, %dma_start3A_36] : memref<80x128xi32, #tpu.memory_space<vmem>> -> memref<1x128xi32, #tpu.memory_space<vmem>>
    %dma_start3A_38 = tpu.memref_squeeze %dma_start3A_37 : memref<1x128xi32, #tpu.memory_space<vmem>> -> memref<128xi32, #tpu.memory_space<vmem>>
    %dma_start3A_39 = arith.constant 0 : i32
    %dma_start3A_40 = arith.constant 0 : i32
    %dma_start3A_41 = tpu.memref_slice %arg2[%dma_start3A_39, %dma_start3A_40] : memref<10000x64xf32, #tpu.memory_space<hbm>> -> memref<10000x64xf32, #tpu.memory_space<hbm>>
    tpu.enqueue_indirect_dma source(%dma_start3A_41 : memref<10000x64xf32, #tpu.memory_space<hbm>>) target(%dma_start3A_35 : memref<128x64xf32, #tpu.memory_space<vmem>>) offsets(%dma_start3A_38 : memref<128xi32, #tpu.memory_space<vmem>>) semaphore(%arg14 : memref<!tpu.dma_semaphore, #tpu.memory_space<semaphore_mem>>)
    %dma_start3A_42 = arith.constant 2 : i32
    %dma_start3A_43 = arith.constant 2 : i32
    %dma_start3A_44 = arith.constant 0 : i32
    %dma_start3A_45 = arith.constant 0 : i32
    %dma_start3A_46 = tpu.memref_slice %arg11[%dma_start3A_43, %dma_start3A_44, %dma_start3A_45] : memref<4x128x64xf32, #tpu.memory_space<vmem>> -> memref<1x128x64xf32, #tpu.memory_space<vmem>>
    %dma_start3A_47 = tpu.memref_squeeze %dma_start3A_46 : memref<1x128x64xf32, #tpu.memory_space<vmem>> -> memref<128x64xf32, #tpu.memory_space<vmem>>
    %dma_start3A_48 = arith.constant 0 : i32
    %dma_start3A_49 = tpu.memref_slice %arg9[%dma_start3A_42, %dma_start3A_48] : memref<80x128xi32, #tpu.memory_space<vmem>> -> memref<1x128xi32, #tpu.memory_space<vmem>>
    %dma_start3A_50 = tpu.memref_squeeze %dma_start3A_49 : memref<1x128xi32, #tpu.memory_space<vmem>> -> memref<128xi32, #tpu.memory_space<vmem>>
    %dma_start3A_51 = arith.constant 0 : i32
    %dma_start3A_52 = arith.constant 0 : i32
    %dma_start3A_53 = tpu.memref_slice %arg2[%dma_start3A_51, %dma_start3A_52] : memref<10000x64xf32, #tpu.memory_space<hbm>> -> memref<10000x64xf32, #tpu.memory_space<hbm>>
    tpu.enqueue_indirect_dma source(%dma_start3A_53 : memref<10000x64xf32, #tpu.memory_space<hbm>>) target(%dma_start3A_47 : memref<128x64xf32, #tpu.memory_space<vmem>>) offsets(%dma_start3A_50 : memref<128xi32, #tpu.memory_space<vmem>>) semaphore(%arg15 : memref<!tpu.dma_semaphore, #tpu.memory_space<semaphore_mem>>)
    %dma_start3A_54 = arith.constant 3 : i32
    %dma_start3A_55 = arith.constant 3 : i32
    %dma_start3A_56 = arith.constant 0 : i32
    %dma_start3A_57 = arith.constant 0 : i32
    %dma_start3A_58 = tpu.memref_slice %arg11[%dma_start3A_55, %dma_start3A_56, %dma_start3A_57] : memref<4x128x64xf32, #tpu.memory_space<vmem>> -> memref<1x128x64xf32, #tpu.memory_space<vmem>>
    %dma_start3A_59 = tpu.memref_squeeze %dma_start3A_58 : memref<1x128x64xf32, #tpu.memory_space<vmem>> -> memref<128x64xf32, #tpu.memory_space<vmem>>
    %dma_start3A_60 = arith.constant 0 : i32
    %dma_start3A_61 = tpu.memref_slice %arg9[%dma_start3A_54, %dma_start3A_60] : memref<80x128xi32, #tpu.memory_space<vmem>> -> memref<1x128xi32, #tpu.memory_space<vmem>>
    %dma_start3A_62 = tpu.memref_squeeze %dma_start3A_61 : memref<1x128xi32, #tpu.memory_space<vmem>> -> memref<128xi32, #tpu.memory_space<vmem>>
    %dma_start3A_63 = arith.constant 0 : i32
    %dma_start3A_64 = arith.constant 0 : i32
    %dma_start3A_65 = tpu.memref_slice %arg2[%dma_start3A_63, %dma_start3A_64] : memref<10000x64xf32, #tpu.memory_space<hbm>> -> memref<10000x64xf32, #tpu.memory_space<hbm>>
    tpu.enqueue_indirect_dma source(%dma_start3A_65 : memref<10000x64xf32, #tpu.memory_space<hbm>>) target(%dma_start3A_59 : memref<128x64xf32, #tpu.memory_space<vmem>>) offsets(%dma_start3A_62 : memref<128xi32, #tpu.memory_space<vmem>>) semaphore(%arg16 : memref<!tpu.dma_semaphore, #tpu.memory_space<semaphore_mem>>)
    %scan3A = arith.constant 0 : i32
    %scan3A_66 = arith.constant 0 : i32
    %scan3A_67 = arith.constant 20 : i32
    %scan3A_68 = arith.addi %scan3A_66, %scan3A_67 : i32
    %scan3A_69 = arith.constant 1 : i32
    scf.for %scan3A_76 = %scan3A_66 to %scan3A_68 step %scan3A_69  : i32 {
      %mul3A_77 = arith.constant 4 : i32
      %mul3A_78 = arith.muli %mul3A_77, %scan3A_76 : i32
      %add3A_79 = arith.constant 0 : i32
      %add3A_80 = arith.addi %mul3A_78, %add3A_79 : i32
      %dma_wait3A = arith.constant 0 : i32
      %dma_wait3A_81 = arith.constant 0 : i32
      %dma_wait3A_82 = arith.constant 0 : i32
      %dma_wait3A_83 = tpu.memref_slice %arg11[%dma_wait3A, %dma_wait3A_81, %dma_wait3A_82] : memref<4x128x64xf32, #tpu.memory_space<vmem>> -> memref<1x128x64xf32, #tpu.memory_space<vmem>>
      %dma_wait3A_84 = tpu.memref_squeeze %dma_wait3A_83 : memref<1x128x64xf32, #tpu.memory_space<vmem>> -> memref<128x64xf32, #tpu.memory_space<vmem>>
      %dma_wait3A_85 = arith.constant 0 : i32
      %dma_wait3A_86 = tpu.memref_slice %arg9[%add3A_80, %dma_wait3A_85] : memref<80x128xi32, #tpu.memory_space<vmem>> -> memref<1x128xi32, #tpu.memory_space<vmem>>
      %dma_wait3A_87 = tpu.memref_squeeze %dma_wait3A_86 : memref<1x128xi32, #tpu.memory_space<vmem>> -> memref<128xi32, #tpu.memory_space<vmem>>
      %dma_wait3A_88 = arith.constant 0 : i32
      %dma_wait3A_89 = arith.constant 0 : i32
      %dma_wait3A_90 = tpu.memref_slice %arg2[%dma_wait3A_88, %dma_wait3A_89] : memref<10000x64xf32, #tpu.memory_space<hbm>> -> memref<10000x64xf32, #tpu.memory_space<hbm>>
      tpu.wait_indirect_dma semaphore(%arg13 : memref<!tpu.dma_semaphore, #tpu.memory_space<semaphore_mem>>) src(%dma_wait3A_90 : memref<10000x64xf32, #tpu.memory_space<hbm>>) dst(%dma_wait3A_84 : memref<128x64xf32, #tpu.memory_space<vmem>>)
      %run_scoped3A = arith.constant 0 : i32
      "tpu.region"() ({
        %run_scoped3A_167 = tpu.sem_alloc : memref<!tpu.dma_semaphore, #tpu.memory_space<semaphore_mem>>
        %dma_start3A_168 = arith.constant 0 : i32
        %dma_start3A_169 = arith.constant 0 : i32
        %dma_start3A_170 = tpu.memref_slice %arg11[%run_scoped3A, %dma_start3A_168, %dma_start3A_169] : memref<4x128x64xf32, #tpu.memory_space<vmem>> -> memref<1x128x64xf32, #tpu.memory_space<vmem>>
        %dma_start3A_171 = tpu.memref_squeeze %dma_start3A_170 : memref<1x128x64xf32, #tpu.memory_space<vmem>> -> memref<128x64xf32, #tpu.memory_space<vmem>>
        %dma_start3A_172 = arith.constant 0 : i32
        %dma_start3A_173 = tpu.memref_slice %arg10[%add3A_80, %dma_start3A_172] : memref<80x128xi32, #tpu.memory_space<vmem>> -> memref<1x128xi32, #tpu.memory_space<vmem>>
        %dma_start3A_174 = tpu.memref_squeeze %dma_start3A_173 : memref<1x128xi32, #tpu.memory_space<vmem>> -> memref<128xi32, #tpu.memory_space<vmem>>
        %dma_start3A_175 = arith.constant 0 : i32
        %dma_start3A_176 = arith.constant 0 : i32
        %dma_start3A_177 = tpu.memref_slice %arg12[%dma_start3A_175, %dma_start3A_176] : memref<10112x64xf32, #tpu.memory_space<vmem_shared>> -> memref<10112x64xf32, #tpu.memory_space<vmem_shared>>
        tpu.enqueue_indirect_dma source(%dma_start3A_171 : memref<128x64xf32, #tpu.memory_space<vmem>>) target(%dma_start3A_177 : memref<10112x64xf32, #tpu.memory_space<vmem_shared>>) offsets(%dma_start3A_174 : memref<128xi32, #tpu.memory_space<vmem>>) semaphore(%run_scoped3A_167 : memref<!tpu.dma_semaphore, #tpu.memory_space<semaphore_mem>>) {add = true}
        %dma_wait3A_178 = arith.constant 0 : i32
        %dma_wait3A_179 = arith.constant 0 : i32
        %dma_wait3A_180 = tpu.memref_slice %arg11[%run_scoped3A, %dma_wait3A_178, %dma_wait3A_179] : memref<4x128x64xf32, #tpu.memory_space<vmem>> -> memref<1x128x64xf32, #tpu.memory_space<vmem>>
        %dma_wait3A_181 = tpu.memref_squeeze %dma_wait3A_180 : memref<1x128x64xf32, #tpu.memory_space<vmem>> -> memref<128x64xf32, #tpu.memory_space<vmem>>
        %dma_wait3A_182 = arith.constant 0 : i32
        %dma_wait3A_183 = tpu.memref_slice %arg10[%add3A_80, %dma_wait3A_182] : memref<80x128xi32, #tpu.memory_space<vmem>> -> memref<1x128xi32, #tpu.memory_space<vmem>>
        %dma_wait3A_184 = tpu.memref_squeeze %dma_wait3A_183 : memref<1x128xi32, #tpu.memory_space<vmem>> -> memref<128xi32, #tpu.memory_space<vmem>>
        %dma_wait3A_185 = arith.constant 0 : i32
        %dma_wait3A_186 = arith.constant 0 : i32
        %dma_wait3A_187 = tpu.memref_slice %arg12[%dma_wait3A_185, %dma_wait3A_186] : memref<10112x64xf32, #tpu.memory_space<vmem_shared>> -> memref<10112x64xf32, #tpu.memory_space<vmem_shared>>
        tpu.wait_indirect_dma semaphore(%run_scoped3A_167 : memref<!tpu.dma_semaphore, #tpu.memory_space<semaphore_mem>>) src(%dma_wait3A_181 : memref<128x64xf32, #tpu.memory_space<vmem>>) dst(%dma_wait3A_187 : memref<10112x64xf32, #tpu.memory_space<vmem_shared>>)
        tpu.yield
      }) : () -> ()
      %add3A_91 = arith.constant 4 : i32
      %add3A_92 = arith.addi %add3A_80, %add3A_91 : i32
      %lt3A_93 = arith.constant 80 : i32
      %lt3A_94 = arith.cmpi slt, %add3A_92, %lt3A_93 : i32
      %convert_element_type3A_95 = arith.extui %lt3A_94 : i1 to i32
      %cond3A_96 = arith.constant 0 : i32
      %cond3A_97 = arith.cmpi ne, %convert_element_type3A_95, %cond3A_96 : i32
      scf.if %cond3A_97 {
        %add3A_167 = arith.constant 4 : i32
        %add3A_168 = arith.addi %add3A_80, %add3A_167 : i32
        %dma_start3A_169 = arith.constant 0 : i32
        %dma_start3A_170 = arith.constant 0 : i32
        %dma_start3A_171 = arith.constant 0 : i32
        %dma_start3A_172 = tpu.memref_slice %arg11[%dma_start3A_169, %dma_start3A_170, %dma_start3A_171] : memref<4x128x64xf32, #tpu.memory_space<vmem>> -> memref<1x128x64xf32, #tpu.memory_space<vmem>>
        %dma_start3A_173 = tpu.memref_squeeze %dma_start3A_172 : memref<1x128x64xf32, #tpu.memory_space<vmem>> -> memref<128x64xf32, #tpu.memory_space<vmem>>
        %dma_start3A_174 = arith.constant 0 : i32
        %dma_start3A_175 = tpu.memref_slice %arg9[%add3A_168, %dma_start3A_174] : memref<80x128xi32, #tpu.memory_space<vmem>> -> memref<1x128xi32, #tpu.memory_space<vmem>>
        %dma_start3A_176 = tpu.memref_squeeze %dma_start3A_175 : memref<1x128xi32, #tpu.memory_space<vmem>> -> memref<128xi32, #tpu.memory_space<vmem>>
        %dma_start3A_177 = arith.constant 0 : i32
        %dma_start3A_178 = arith.constant 0 : i32
        %dma_start3A_179 = tpu.memref_slice %arg2[%dma_start3A_177, %dma_start3A_178] : memref<10000x64xf32, #tpu.memory_space<hbm>> -> memref<10000x64xf32, #tpu.memory_space<hbm>>
        tpu.enqueue_indirect_dma source(%dma_start3A_179 : memref<10000x64xf32, #tpu.memory_space<hbm>>) target(%dma_start3A_173 : memref<128x64xf32, #tpu.memory_space<vmem>>) offsets(%dma_start3A_176 : memref<128xi32, #tpu.memory_space<vmem>>) semaphore(%arg13 : memref<!tpu.dma_semaphore, #tpu.memory_space<semaphore_mem>>)
      } else {
      }
      %mul3A_98 = arith.constant 4 : i32
      %mul3A_99 = arith.muli %mul3A_98, %scan3A_76 : i32
      %add3A_100 = arith.constant 1 : i32
      %add3A_101 = arith.addi %mul3A_99, %add3A_100 : i32
      %dma_wait3A_102 = arith.constant 1 : i32
      %dma_wait3A_103 = arith.constant 0 : i32
      %dma_wait3A_104 = arith.constant 0 : i32
      %dma_wait3A_105 = tpu.memref_slice %arg11[%dma_wait3A_102, %dma_wait3A_103, %dma_wait3A_104] : memref<4x128x64xf32, #tpu.memory_space<vmem>> -> memref<1x128x64xf32, #tpu.memory_space<vmem>>
      %dma_wait3A_106 = tpu.memref_squeeze %dma_wait3A_105 : memref<1x128x64xf32, #tpu.memory_space<vmem>> -> memref<128x64xf32, #tpu.memory_space<vmem>>
      %dma_wait3A_107 = arith.constant 0 : i32
      %dma_wait3A_108 = tpu.memref_slice %arg9[%add3A_101, %dma_wait3A_107] : memref<80x128xi32, #tpu.memory_space<vmem>> -> memref<1x128xi32, #tpu.memory_space<vmem>>
      %dma_wait3A_109 = tpu.memref_squeeze %dma_wait3A_108 : memref<1x128xi32, #tpu.memory_space<vmem>> -> memref<128xi32, #tpu.memory_space<vmem>>
      %dma_wait3A_110 = arith.constant 0 : i32
      %dma_wait3A_111 = arith.constant 0 : i32
      %dma_wait3A_112 = tpu.memref_slice %arg2[%dma_wait3A_110, %dma_wait3A_111] : memref<10000x64xf32, #tpu.memory_space<hbm>> -> memref<10000x64xf32, #tpu.memory_space<hbm>>
      tpu.wait_indirect_dma semaphore(%arg14 : memref<!tpu.dma_semaphore, #tpu.memory_space<semaphore_mem>>) src(%dma_wait3A_112 : memref<10000x64xf32, #tpu.memory_space<hbm>>) dst(%dma_wait3A_106 : memref<128x64xf32, #tpu.memory_space<vmem>>)
      %run_scoped3A_113 = arith.constant 1 : i32
      "tpu.region"() ({
        %run_scoped3A_167 = tpu.sem_alloc : memref<!tpu.dma_semaphore, #tpu.memory_space<semaphore_mem>>
        %dma_start3A_168 = arith.constant 0 : i32
        %dma_start3A_169 = arith.constant 0 : i32
        %dma_start3A_170 = tpu.memref_slice %arg11[%run_scoped3A_113, %dma_start3A_168, %dma_start3A_169] : memref<4x128x64xf32, #tpu.memory_space<vmem>> -> memref<1x128x64xf32, #tpu.memory_space<vmem>>
        %dma_start3A_171 = tpu.memref_squeeze %dma_start3A_170 : memref<1x128x64xf32, #tpu.memory_space<vmem>> -> memref<128x64xf32, #tpu.memory_space<vmem>>
        %dma_start3A_172 = arith.constant 0 : i32
        %dma_start3A_173 = tpu.memref_slice %arg10[%add3A_101, %dma_start3A_172] : memref<80x128xi32, #tpu.memory_space<vmem>> -> memref<1x128xi32, #tpu.memory_space<vmem>>
        %dma_start3A_174 = tpu.memref_squeeze %dma_start3A_173 : memref<1x128xi32, #tpu.memory_space<vmem>> -> memref<128xi32, #tpu.memory_space<vmem>>
        %dma_start3A_175 = arith.constant 0 : i32
        %dma_start3A_176 = arith.constant 0 : i32
        %dma_start3A_177 = tpu.memref_slice %arg12[%dma_start3A_175, %dma_start3A_176] : memref<10112x64xf32, #tpu.memory_space<vmem_shared>> -> memref<10112x64xf32, #tpu.memory_space<vmem_shared>>
        tpu.enqueue_indirect_dma source(%dma_start3A_171 : memref<128x64xf32, #tpu.memory_space<vmem>>) target(%dma_start3A_177 : memref<10112x64xf32, #tpu.memory_space<vmem_shared>>) offsets(%dma_start3A_174 : memref<128xi32, #tpu.memory_space<vmem>>) semaphore(%run_scoped3A_167 : memref<!tpu.dma_semaphore, #tpu.memory_space<semaphore_mem>>) {add = true}
        %dma_wait3A_178 = arith.constant 0 : i32
        %dma_wait3A_179 = arith.constant 0 : i32
        %dma_wait3A_180 = tpu.memref_slice %arg11[%run_scoped3A_113, %dma_wait3A_178, %dma_wait3A_179] : memref<4x128x64xf32, #tpu.memory_space<vmem>> -> memref<1x128x64xf32, #tpu.memory_space<vmem>>
        %dma_wait3A_181 = tpu.memref_squeeze %dma_wait3A_180 : memref<1x128x64xf32, #tpu.memory_space<vmem>> -> memref<128x64xf32, #tpu.memory_space<vmem>>
        %dma_wait3A_182 = arith.constant 0 : i32
        %dma_wait3A_183 = tpu.memref_slice %arg10[%add3A_101, %dma_wait3A_182] : memref<80x128xi32, #tpu.memory_space<vmem>> -> memref<1x128xi32, #tpu.memory_space<vmem>>
        %dma_wait3A_184 = tpu.memref_squeeze %dma_wait3A_183 : memref<1x128xi32, #tpu.memory_space<vmem>> -> memref<128xi32, #tpu.memory_space<vmem>>
        %dma_wait3A_185 = arith.constant 0 : i32
        %dma_wait3A_186 = arith.constant 0 : i32
        %dma_wait3A_187 = tpu.memref_slice %arg12[%dma_wait3A_185, %dma_wait3A_186] : memref<10112x64xf32, #tpu.memory_space<vmem_shared>> -> memref<10112x64xf32, #tpu.memory_space<vmem_shared>>
        tpu.wait_indirect_dma semaphore(%run_scoped3A_167 : memref<!tpu.dma_semaphore, #tpu.memory_space<semaphore_mem>>) src(%dma_wait3A_181 : memref<128x64xf32, #tpu.memory_space<vmem>>) dst(%dma_wait3A_187 : memref<10112x64xf32, #tpu.memory_space<vmem_shared>>)
        tpu.yield
      }) : () -> ()
      %add3A_114 = arith.constant 4 : i32
      %add3A_115 = arith.addi %add3A_101, %add3A_114 : i32
      %lt3A_116 = arith.constant 80 : i32
      %lt3A_117 = arith.cmpi slt, %add3A_115, %lt3A_116 : i32
      %convert_element_type3A_118 = arith.extui %lt3A_117 : i1 to i32
      %cond3A_119 = arith.constant 0 : i32
      %cond3A_120 = arith.cmpi ne, %convert_element_type3A_118, %cond3A_119 : i32
      scf.if %cond3A_120 {
        %add3A_167 = arith.constant 4 : i32
        %add3A_168 = arith.addi %add3A_101, %add3A_167 : i32
        %dma_start3A_169 = arith.constant 1 : i32
        %dma_start3A_170 = arith.constant 0 : i32
        %dma_start3A_171 = arith.constant 0 : i32
        %dma_start3A_172 = tpu.memref_slice %arg11[%dma_start3A_169, %dma_start3A_170, %dma_start3A_171] : memref<4x128x64xf32, #tpu.memory_space<vmem>> -> memref<1x128x64xf32, #tpu.memory_space<vmem>>
        %dma_start3A_173 = tpu.memref_squeeze %dma_start3A_172 : memref<1x128x64xf32, #tpu.memory_space<vmem>> -> memref<128x64xf32, #tpu.memory_space<vmem>>
        %dma_start3A_174 = arith.constant 0 : i32
        %dma_start3A_175 = tpu.memref_slice %arg9[%add3A_168, %dma_start3A_174] : memref<80x128xi32, #tpu.memory_space<vmem>> -> memref<1x128xi32, #tpu.memory_space<vmem>>
        %dma_start3A_176 = tpu.memref_squeeze %dma_start3A_175 : memref<1x128xi32, #tpu.memory_space<vmem>> -> memref<128xi32, #tpu.memory_space<vmem>>
        %dma_start3A_177 = arith.constant 0 : i32
        %dma_start3A_178 = arith.constant 0 : i32
        %dma_start3A_179 = tpu.memref_slice %arg2[%dma_start3A_177, %dma_start3A_178] : memref<10000x64xf32, #tpu.memory_space<hbm>> -> memref<10000x64xf32, #tpu.memory_space<hbm>>
        tpu.enqueue_indirect_dma source(%dma_start3A_179 : memref<10000x64xf32, #tpu.memory_space<hbm>>) target(%dma_start3A_173 : memref<128x64xf32, #tpu.memory_space<vmem>>) offsets(%dma_start3A_176 : memref<128xi32, #tpu.memory_space<vmem>>) semaphore(%arg14 : memref<!tpu.dma_semaphore, #tpu.memory_space<semaphore_mem>>)
      } else {
      }
      %mul3A_121 = arith.constant 4 : i32
      %mul3A_122 = arith.muli %mul3A_121, %scan3A_76 : i32
      %add3A_123 = arith.constant 2 : i32
      %add3A_124 = arith.addi %mul3A_122, %add3A_123 : i32
      %dma_wait3A_125 = arith.constant 2 : i32
      %dma_wait3A_126 = arith.constant 0 : i32
      %dma_wait3A_127 = arith.constant 0 : i32
      %dma_wait3A_128 = tpu.memref_slice %arg11[%dma_wait3A_125, %dma_wait3A_126, %dma_wait3A_127] : memref<4x128x64xf32, #tpu.memory_space<vmem>> -> memref<1x128x64xf32, #tpu.memory_space<vmem>>
      %dma_wait3A_129 = tpu.memref_squeeze %dma_wait3A_128 : memref<1x128x64xf32, #tpu.memory_space<vmem>> -> memref<128x64xf32, #tpu.memory_space<vmem>>
      %dma_wait3A_130 = arith.constant 0 : i32
      %dma_wait3A_131 = tpu.memref_slice %arg9[%add3A_124, %dma_wait3A_130] : memref<80x128xi32, #tpu.memory_space<vmem>> -> memref<1x128xi32, #tpu.memory_space<vmem>>
      %dma_wait3A_132 = tpu.memref_squeeze %dma_wait3A_131 : memref<1x128xi32, #tpu.memory_space<vmem>> -> memref<128xi32, #tpu.memory_space<vmem>>
      %dma_wait3A_133 = arith.constant 0 : i32
      %dma_wait3A_134 = arith.constant 0 : i32
      %dma_wait3A_135 = tpu.memref_slice %arg2[%dma_wait3A_133, %dma_wait3A_134] : memref<10000x64xf32, #tpu.memory_space<hbm>> -> memref<10000x64xf32, #tpu.memory_space<hbm>>
      tpu.wait_indirect_dma semaphore(%arg15 : memref<!tpu.dma_semaphore, #tpu.memory_space<semaphore_mem>>) src(%dma_wait3A_135 : memref<10000x64xf32, #tpu.memory_space<hbm>>) dst(%dma_wait3A_129 : memref<128x64xf32, #tpu.memory_space<vmem>>)
      %run_scoped3A_136 = arith.constant 2 : i32
      "tpu.region"() ({
        %run_scoped3A_167 = tpu.sem_alloc : memref<!tpu.dma_semaphore, #tpu.memory_space<semaphore_mem>>
        %dma_start3A_168 = arith.constant 0 : i32
        %dma_start3A_169 = arith.constant 0 : i32
        %dma_start3A_170 = tpu.memref_slice %arg11[%run_scoped3A_136, %dma_start3A_168, %dma_start3A_169] : memref<4x128x64xf32, #tpu.memory_space<vmem>> -> memref<1x128x64xf32, #tpu.memory_space<vmem>>
        %dma_start3A_171 = tpu.memref_squeeze %dma_start3A_170 : memref<1x128x64xf32, #tpu.memory_space<vmem>> -> memref<128x64xf32, #tpu.memory_space<vmem>>
        %dma_start3A_172 = arith.constant 0 : i32
        %dma_start3A_173 = tpu.memref_slice %arg10[%add3A_124, %dma_start3A_172] : memref<80x128xi32, #tpu.memory_space<vmem>> -> memref<1x128xi32, #tpu.memory_space<vmem>>
        %dma_start3A_174 = tpu.memref_squeeze %dma_start3A_173 : memref<1x128xi32, #tpu.memory_space<vmem>> -> memref<128xi32, #tpu.memory_space<vmem>>
        %dma_start3A_175 = arith.constant 0 : i32
        %dma_start3A_176 = arith.constant 0 : i32
        %dma_start3A_177 = tpu.memref_slice %arg12[%dma_start3A_175, %dma_start3A_176] : memref<10112x64xf32, #tpu.memory_space<vmem_shared>> -> memref<10112x64xf32, #tpu.memory_space<vmem_shared>>
        tpu.enqueue_indirect_dma source(%dma_start3A_171 : memref<128x64xf32, #tpu.memory_space<vmem>>) target(%dma_start3A_177 : memref<10112x64xf32, #tpu.memory_space<vmem_shared>>) offsets(%dma_start3A_174 : memref<128xi32, #tpu.memory_space<vmem>>) semaphore(%run_scoped3A_167 : memref<!tpu.dma_semaphore, #tpu.memory_space<semaphore_mem>>) {add = true}
        %dma_wait3A_178 = arith.constant 0 : i32
        %dma_wait3A_179 = arith.constant 0 : i32
        %dma_wait3A_180 = tpu.memref_slice %arg11[%run_scoped3A_136, %dma_wait3A_178, %dma_wait3A_179] : memref<4x128x64xf32, #tpu.memory_space<vmem>> -> memref<1x128x64xf32, #tpu.memory_space<vmem>>
        %dma_wait3A_181 = tpu.memref_squeeze %dma_wait3A_180 : memref<1x128x64xf32, #tpu.memory_space<vmem>> -> memref<128x64xf32, #tpu.memory_space<vmem>>
        %dma_wait3A_182 = arith.constant 0 : i32
        %dma_wait3A_183 = tpu.memref_slice %arg10[%add3A_124, %dma_wait3A_182] : memref<80x128xi32, #tpu.memory_space<vmem>> -> memref<1x128xi32, #tpu.memory_space<vmem>>
        %dma_wait3A_184 = tpu.memref_squeeze %dma_wait3A_183 : memref<1x128xi32, #tpu.memory_space<vmem>> -> memref<128xi32, #tpu.memory_space<vmem>>
        %dma_wait3A_185 = arith.constant 0 : i32
        %dma_wait3A_186 = arith.constant 0 : i32
        %dma_wait3A_187 = tpu.memref_slice %arg12[%dma_wait3A_185, %dma_wait3A_186] : memref<10112x64xf32, #tpu.memory_space<vmem_shared>> -> memref<10112x64xf32, #tpu.memory_space<vmem_shared>>
        tpu.wait_indirect_dma semaphore(%run_scoped3A_167 : memref<!tpu.dma_semaphore, #tpu.memory_space<semaphore_mem>>) src(%dma_wait3A_181 : memref<128x64xf32, #tpu.memory_space<vmem>>) dst(%dma_wait3A_187 : memref<10112x64xf32, #tpu.memory_space<vmem_shared>>)
        tpu.yield
      }) : () -> ()
      %add3A_137 = arith.constant 4 : i32
      %add3A_138 = arith.addi %add3A_124, %add3A_137 : i32
      %lt3A_139 = arith.constant 80 : i32
      %lt3A_140 = arith.cmpi slt, %add3A_138, %lt3A_139 : i32
      %convert_element_type3A_141 = arith.extui %lt3A_140 : i1 to i32
      %cond3A_142 = arith.constant 0 : i32
      %cond3A_143 = arith.cmpi ne, %convert_element_type3A_141, %cond3A_142 : i32
      scf.if %cond3A_143 {
        %add3A_167 = arith.constant 4 : i32
        %add3A_168 = arith.addi %add3A_124, %add3A_167 : i32
        %dma_start3A_169 = arith.constant 2 : i32
        %dma_start3A_170 = arith.constant 0 : i32
        %dma_start3A_171 = arith.constant 0 : i32
        %dma_start3A_172 = tpu.memref_slice %arg11[%dma_start3A_169, %dma_start3A_170, %dma_start3A_171] : memref<4x128x64xf32, #tpu.memory_space<vmem>> -> memref<1x128x64xf32, #tpu.memory_space<vmem>>
        %dma_start3A_173 = tpu.memref_squeeze %dma_start3A_172 : memref<1x128x64xf32, #tpu.memory_space<vmem>> -> memref<128x64xf32, #tpu.memory_space<vmem>>
        %dma_start3A_174 = arith.constant 0 : i32
        %dma_start3A_175 = tpu.memref_slice %arg9[%add3A_168, %dma_start3A_174] : memref<80x128xi32, #tpu.memory_space<vmem>> -> memref<1x128xi32, #tpu.memory_space<vmem>>
        %dma_start3A_176 = tpu.memref_squeeze %dma_start3A_175 : memref<1x128xi32, #tpu.memory_space<vmem>> -> memref<128xi32, #tpu.memory_space<vmem>>
        %dma_start3A_177 = arith.constant 0 : i32
        %dma_start3A_178 = arith.constant 0 : i32
        %dma_start3A_179 = tpu.memref_slice %arg2[%dma_start3A_177, %dma_start3A_178] : memref<10000x64xf32, #tpu.memory_space<hbm>> -> memref<10000x64xf32, #tpu.memory_space<hbm>>
        tpu.enqueue_indirect_dma source(%dma_start3A_179 : memref<10000x64xf32, #tpu.memory_space<hbm>>) target(%dma_start3A_173 : memref<128x64xf32, #tpu.memory_space<vmem>>) offsets(%dma_start3A_176 : memref<128xi32, #tpu.memory_space<vmem>>) semaphore(%arg15 : memref<!tpu.dma_semaphore, #tpu.memory_space<semaphore_mem>>)
      } else {
      }
      %mul3A_144 = arith.constant 4 : i32
      %mul3A_145 = arith.muli %mul3A_144, %scan3A_76 : i32
      %add3A_146 = arith.constant 3 : i32
      %add3A_147 = arith.addi %mul3A_145, %add3A_146 : i32
      %dma_wait3A_148 = arith.constant 3 : i32
      %dma_wait3A_149 = arith.constant 0 : i32
      %dma_wait3A_150 = arith.constant 0 : i32
      %dma_wait3A_151 = tpu.memref_slice %arg11[%dma_wait3A_148, %dma_wait3A_149, %dma_wait3A_150] : memref<4x128x64xf32, #tpu.memory_space<vmem>> -> memref<1x128x64xf32, #tpu.memory_space<vmem>>
      %dma_wait3A_152 = tpu.memref_squeeze %dma_wait3A_151 : memref<1x128x64xf32, #tpu.memory_space<vmem>> -> memref<128x64xf32, #tpu.memory_space<vmem>>
      %dma_wait3A_153 = arith.constant 0 : i32
      %dma_wait3A_154 = tpu.memref_slice %arg9[%add3A_147, %dma_wait3A_153] : memref<80x128xi32, #tpu.memory_space<vmem>> -> memref<1x128xi32, #tpu.memory_space<vmem>>
      %dma_wait3A_155 = tpu.memref_squeeze %dma_wait3A_154 : memref<1x128xi32, #tpu.memory_space<vmem>> -> memref<128xi32, #tpu.memory_space<vmem>>
      %dma_wait3A_156 = arith.constant 0 : i32
      %dma_wait3A_157 = arith.constant 0 : i32
      %dma_wait3A_158 = tpu.memref_slice %arg2[%dma_wait3A_156, %dma_wait3A_157] : memref<10000x64xf32, #tpu.memory_space<hbm>> -> memref<10000x64xf32, #tpu.memory_space<hbm>>
      tpu.wait_indirect_dma semaphore(%arg16 : memref<!tpu.dma_semaphore, #tpu.memory_space<semaphore_mem>>) src(%dma_wait3A_158 : memref<10000x64xf32, #tpu.memory_space<hbm>>) dst(%dma_wait3A_152 : memref<128x64xf32, #tpu.memory_space<vmem>>)
      %run_scoped3A_159 = arith.constant 3 : i32
      "tpu.region"() ({
        %run_scoped3A_167 = tpu.sem_alloc : memref<!tpu.dma_semaphore, #tpu.memory_space<semaphore_mem>>
        %dma_start3A_168 = arith.constant 0 : i32
        %dma_start3A_169 = arith.constant 0 : i32
        %dma_start3A_170 = tpu.memref_slice %arg11[%run_scoped3A_159, %dma_start3A_168, %dma_start3A_169] : memref<4x128x64xf32, #tpu.memory_space<vmem>> -> memref<1x128x64xf32, #tpu.memory_space<vmem>>
        %dma_start3A_171 = tpu.memref_squeeze %dma_start3A_170 : memref<1x128x64xf32, #tpu.memory_space<vmem>> -> memref<128x64xf32, #tpu.memory_space<vmem>>
        %dma_start3A_172 = arith.constant 0 : i32
        %dma_start3A_173 = tpu.memref_slice %arg10[%add3A_147, %dma_start3A_172] : memref<80x128xi32, #tpu.memory_space<vmem>> -> memref<1x128xi32, #tpu.memory_space<vmem>>
        %dma_start3A_174 = tpu.memref_squeeze %dma_start3A_173 : memref<1x128xi32, #tpu.memory_space<vmem>> -> memref<128xi32, #tpu.memory_space<vmem>>
        %dma_start3A_175 = arith.constant 0 : i32
        %dma_start3A_176 = arith.constant 0 : i32
        %dma_start3A_177 = tpu.memref_slice %arg12[%dma_start3A_175, %dma_start3A_176] : memref<10112x64xf32, #tpu.memory_space<vmem_shared>> -> memref<10112x64xf32, #tpu.memory_space<vmem_shared>>
        tpu.enqueue_indirect_dma source(%dma_start3A_171 : memref<128x64xf32, #tpu.memory_space<vmem>>) target(%dma_start3A_177 : memref<10112x64xf32, #tpu.memory_space<vmem_shared>>) offsets(%dma_start3A_174 : memref<128xi32, #tpu.memory_space<vmem>>) semaphore(%run_scoped3A_167 : memref<!tpu.dma_semaphore, #tpu.memory_space<semaphore_mem>>) {add = true}
        %dma_wait3A_178 = arith.constant 0 : i32
        %dma_wait3A_179 = arith.constant 0 : i32
        %dma_wait3A_180 = tpu.memref_slice %arg11[%run_scoped3A_159, %dma_wait3A_178, %dma_wait3A_179] : memref<4x128x64xf32, #tpu.memory_space<vmem>> -> memref<1x128x64xf32, #tpu.memory_space<vmem>>
        %dma_wait3A_181 = tpu.memref_squeeze %dma_wait3A_180 : memref<1x128x64xf32, #tpu.memory_space<vmem>> -> memref<128x64xf32, #tpu.memory_space<vmem>>
        %dma_wait3A_182 = arith.constant 0 : i32
        %dma_wait3A_183 = tpu.memref_slice %arg10[%add3A_147, %dma_wait3A_182] : memref<80x128xi32, #tpu.memory_space<vmem>> -> memref<1x128xi32, #tpu.memory_space<vmem>>
        %dma_wait3A_184 = tpu.memref_squeeze %dma_wait3A_183 : memref<1x128xi32, #tpu.memory_space<vmem>> -> memref<128xi32, #tpu.memory_space<vmem>>
        %dma_wait3A_185 = arith.constant 0 : i32
        %dma_wait3A_186 = arith.constant 0 : i32
        %dma_wait3A_187 = tpu.memref_slice %arg12[%dma_wait3A_185, %dma_wait3A_186] : memref<10112x64xf32, #tpu.memory_space<vmem_shared>> -> memref<10112x64xf32, #tpu.memory_space<vmem_shared>>
        tpu.wait_indirect_dma semaphore(%run_scoped3A_167 : memref<!tpu.dma_semaphore, #tpu.memory_space<semaphore_mem>>) src(%dma_wait3A_181 : memref<128x64xf32, #tpu.memory_space<vmem>>) dst(%dma_wait3A_187 : memref<10112x64xf32, #tpu.memory_space<vmem_shared>>)
        tpu.yield
      }) : () -> ()
      %add3A_160 = arith.constant 4 : i32
      %add3A_161 = arith.addi %add3A_147, %add3A_160 : i32
      %lt3A_162 = arith.constant 80 : i32
      %lt3A_163 = arith.cmpi slt, %add3A_161, %lt3A_162 : i32
      %convert_element_type3A_164 = arith.extui %lt3A_163 : i1 to i32
      %cond3A_165 = arith.constant 0 : i32
      %cond3A_166 = arith.cmpi ne, %convert_element_type3A_164, %cond3A_165 : i32
      scf.if %cond3A_166 {
        %add3A_167 = arith.constant 4 : i32
        %add3A_168 = arith.addi %add3A_147, %add3A_167 : i32
        %dma_start3A_169 = arith.constant 3 : i32
        %dma_start3A_170 = arith.constant 0 : i32
        %dma_start3A_171 = arith.constant 0 : i32
        %dma_start3A_172 = tpu.memref_slice %arg11[%dma_start3A_169, %dma_start3A_170, %dma_start3A_171] : memref<4x128x64xf32, #tpu.memory_space<vmem>> -> memref<1x128x64xf32, #tpu.memory_space<vmem>>
        %dma_start3A_173 = tpu.memref_squeeze %dma_start3A_172 : memref<1x128x64xf32, #tpu.memory_space<vmem>> -> memref<128x64xf32, #tpu.memory_space<vmem>>
        %dma_start3A_174 = arith.constant 0 : i32
        %dma_start3A_175 = tpu.memref_slice %arg9[%add3A_168, %dma_start3A_174] : memref<80x128xi32, #tpu.memory_space<vmem>> -> memref<1x128xi32, #tpu.memory_space<vmem>>
        %dma_start3A_176 = tpu.memref_squeeze %dma_start3A_175 : memref<1x128xi32, #tpu.memory_space<vmem>> -> memref<128xi32, #tpu.memory_space<vmem>>
        %dma_start3A_177 = arith.constant 0 : i32
        %dma_start3A_178 = arith.constant 0 : i32
        %dma_start3A_179 = tpu.memref_slice %arg2[%dma_start3A_177, %dma_start3A_178] : memref<10000x64xf32, #tpu.memory_space<hbm>> -> memref<10000x64xf32, #tpu.memory_space<hbm>>
        tpu.enqueue_indirect_dma source(%dma_start3A_179 : memref<10000x64xf32, #tpu.memory_space<hbm>>) target(%dma_start3A_173 : memref<128x64xf32, #tpu.memory_space<vmem>>) offsets(%dma_start3A_176 : memref<128xi32, #tpu.memory_space<vmem>>) semaphore(%arg16 : memref<!tpu.dma_semaphore, #tpu.memory_space<semaphore_mem>>)
      } else {
      }
    }
    %scan3A_70 = arith.constant 20 : i32
    %barrier3A_71 = arith.constant 0 : index
    tpu.barrier barrier_id(%barrier3A_71)
    %mul3A_72 = arith.constant 632 : i32
    %mul3A_73 = arith.muli %arg1, %mul3A_72 : i32
    %mul3A_74 = arith.constant 632 : i32
    %mul3A_75 = arith.muli %arg1, %mul3A_74 : i32
    "tpu.region"() ({
      %run_scoped3A = tpu.sem_alloc : memref<!tpu.dma_semaphore, #tpu.memory_space<semaphore_mem>>
      %dma_start3A_76 = arith.constant 0 : i32
      %dma_start3A_77 = tpu.memref_slice %arg8[%arg0, %mul3A_75, %dma_start3A_76] : memref<2x10112x64xf32, #tpu.memory_space<hbm>> -> memref<1x632x64xf32, #tpu.memory_space<hbm>>
      %dma_start3A_78 = tpu.memref_squeeze %dma_start3A_77 : memref<1x632x64xf32, #tpu.memory_space<hbm>> -> memref<632x64xf32, #tpu.memory_space<hbm>>
      %dma_start3A_79 = arith.constant 0 : i32
      %dma_start3A_80 = tpu.memref_slice %arg12[%mul3A_73, %dma_start3A_79] : memref<10112x64xf32, #tpu.memory_space<vmem_shared>> -> memref<632x64xf32, #tpu.memory_space<vmem_shared>>
      tpu.enqueue_dma source(%dma_start3A_80 : memref<632x64xf32, #tpu.memory_space<vmem_shared>>) target(%dma_start3A_78 : memref<632x64xf32, #tpu.memory_space<hbm>>) target_semaphore(%run_scoped3A : memref<!tpu.dma_semaphore, #tpu.memory_space<semaphore_mem>>)
      %dma_wait3A = arith.constant 0 : i32
      %dma_wait3A_81 = tpu.memref_slice %arg8[%arg0, %mul3A_75, %dma_wait3A] : memref<2x10112x64xf32, #tpu.memory_space<hbm>> -> memref<1x632x64xf32, #tpu.memory_space<hbm>>
      %dma_wait3A_82 = tpu.memref_squeeze %dma_wait3A_81 : memref<1x632x64xf32, #tpu.memory_space<hbm>> -> memref<632x64xf32, #tpu.memory_space<hbm>>
      %dma_wait3A_83 = arith.constant 0 : i32
      %dma_wait3A_84 = tpu.memref_slice %arg12[%mul3A_73, %dma_wait3A_83] : memref<10112x64xf32, #tpu.memory_space<vmem_shared>> -> memref<632x64xf32, #tpu.memory_space<vmem_shared>>
      tpu.wait_dma2 semaphore(%run_scoped3A : memref<!tpu.dma_semaphore, #tpu.memory_space<semaphore_mem>>) src(%dma_wait3A_84 : memref<632x64xf32, #tpu.memory_space<vmem_shared>>) dst(%dma_wait3A_82 : memref<632x64xf32, #tpu.memory_space<hbm>>)
      tpu.yield
    }) : () -> ()
    return
  }
}

module attributes {stable_mosaic.version = 14 : i64} {
  func.func @body(%arg0: memref<5000x256xf32, #tpu.memory_space<vmem>>, %arg1: memref<256x128xf32, #tpu.memory_space<vmem>>, %arg2: memref<5000x128xf32, #tpu.memory_space<vmem>>) attributes {dimension_semantics = [], scalar_prefetch = 0 : i64, scratch_operands = 0 : i64, tpu.core_type = #tpu.core_type<tc>} {
    %get3A = arith.constant 0 : index
    %get3A_0 = arith.constant 0 : index
    %get3A_1 = vector.load %arg0[%get3A, %get3A_0] : memref<5000x256xf32, #tpu.memory_space<vmem>>, vector<5000x256xf32>
    %get3A_2 = arith.constant 0 : index
    %get3A_3 = arith.constant 0 : index
    %get3A_4 = vector.load %arg1[%get3A_2, %get3A_3] : memref<256x128xf32, #tpu.memory_space<vmem>>, vector<256x128xf32>
    %dot_general3A = arith.constant dense<0.000000e+00> : vector<5000x128xf32>
    %dot_general3A_5 = tpu.matmul %get3A_1, %get3A_4, %dot_general3A {dimension_numbers = #tpu.dot_dimension_numbers<[1], [0], [0], [1], [0, 0, 1, 1], [], []>, transpose_lhs_hint = false} : vector<5000x256xf32>, vector<256x128xf32>, vector<5000x128xf32> -> vector<5000x128xf32>
    %swap3A = arith.constant 0 : index
    %swap3A_6 = arith.constant 0 : index
    %swap3A_7 = vector.load %arg2[%swap3A, %swap3A_6] : memref<5000x128xf32, #tpu.memory_space<vmem>>, vector<5000x128xf32>
    tpu.vector_store %arg2[%swap3A, %swap3A_6], %dot_general3A_5 {strides = array<i32>} : memref<5000x128xf32, #tpu.memory_space<vmem>>, vector<5000x128xf32>,
    return
  }
}

module attributes {stable_mosaic.version = 14 : i64} {
  func.func @body(%arg0: memref<2x5056x128xf32, #tpu.memory_space<vmem>>, %arg1: memref<5000x128xf32, #tpu.memory_space<vmem>>, %arg2: memref<5056x128xf32, #tpu.memory_space<vmem>>, %arg3: memref<5000x128xf32, #tpu.memory_space<vmem>>) attributes {dimension_semantics = [], scalar_prefetch = 0 : i64, scratch_operands = 0 : i64, tpu.core_type = #tpu.core_type<tc>} {
    %get3A = arith.constant 0 : index
    %get3A_0 = arith.constant 0 : index
    %get3A_1 = arith.constant 0 : index
    %get3A_2 = vector.load %arg0[%get3A, %get3A_0, %get3A_1] : memref<2x5056x128xf32, #tpu.memory_space<vmem>>, vector<1x5056x128xf32>
    %get3A_3 = vector.shape_cast %get3A_2 : vector<1x5056x128xf32> to vector<5056x128xf32>
    %get3A_4 = arith.constant 1 : index
    %get3A_5 = arith.constant 0 : index
    %get3A_6 = arith.constant 0 : index
    %get3A_7 = vector.load %arg0[%get3A_4, %get3A_5, %get3A_6] : memref<2x5056x128xf32, #tpu.memory_space<vmem>>, vector<1x5056x128xf32>
    %get3A_8 = vector.shape_cast %get3A_7 : vector<1x5056x128xf32> to vector<5056x128xf32>
    %add3A = arith.addf %get3A_3, %get3A_8 : vector<5056x128xf32>
    %add3A_9 = arith.constant 1.000000e+00 : f32
    %add3A_10 = vector.broadcast %add3A_9 : f32 to vector<5056x128xf32>
    %add3A_11 = arith.addf %add3A, %add3A_10 : vector<5056x128xf32>
    %rsqrt3A = math.rsqrt %add3A_11 : vector<5056x128xf32>
    %swap3A = arith.constant 0 : index
    %swap3A_12 = arith.constant 0 : index
    %swap3A_13 = vector.load %arg2[%swap3A, %swap3A_12] : memref<5056x128xf32, #tpu.memory_space<vmem>>, vector<5056x128xf32>
    tpu.vector_store %arg2[%swap3A, %swap3A_12], %rsqrt3A {strides = array<i32>} : memref<5056x128xf32, #tpu.memory_space<vmem>>, vector<5056x128xf32>,
    %slice3A = vector.extract_strided_slice %rsqrt3A {offsets = [0, 0], sizes = [5000, 128], strides = [1, 1]} : vector<5056x128xf32> to vector<5000x128xf32>
    %get3A_14 = arith.constant 0 : index
    %get3A_15 = arith.constant 0 : index
    %get3A_16 = vector.load %arg1[%get3A_14, %get3A_15] : memref<5000x128xf32, #tpu.memory_space<vmem>>, vector<5000x128xf32>
    %mul3A = arith.mulf %slice3A, %get3A_16 : vector<5000x128xf32>
    %swap3A_17 = arith.constant 0 : index
    %swap3A_18 = arith.constant 0 : index
    %swap3A_19 = vector.load %arg3[%swap3A_17, %swap3A_18] : memref<5000x128xf32, #tpu.memory_space<vmem>>, vector<5000x128xf32>
    tpu.vector_store %arg3[%swap3A_17, %swap3A_18], %mul3A {strides = array<i32>} : memref<5000x128xf32, #tpu.memory_space<vmem>>, vector<5000x128xf32>,
    return
  }
}

module attributes {stable_mosaic.version = 14 : i64} {
  func.func @body(%arg0: memref<2x5056x128xf32, #tpu.memory_space<vmem>>, %arg1: memref<5000x128xf32, #tpu.memory_space<vmem>>, %arg2: memref<5056x128xf32, #tpu.memory_space<vmem>>, %arg3: memref<1x128xf32, #tpu.memory_space<vmem>>, %arg4: memref<128x128xf32, #tpu.memory_space<vmem>>, %arg5: memref<5000x128xf32, #tpu.memory_space<vmem>>) attributes {dimension_semantics = [], scalar_prefetch = 0 : i64, scratch_operands = 0 : i64, tpu.core_type = #tpu.core_type<tc>} {
    %get3A = arith.constant 0 : index
    %get3A_0 = arith.constant 0 : index
    %get3A_1 = vector.load %arg2[%get3A, %get3A_0] : memref<5056x128xf32, #tpu.memory_space<vmem>>, vector<5000x128xf32>
    %get3A_2 = arith.constant 0 : index
    %get3A_3 = arith.constant 0 : index
    %get3A_4 = arith.constant 0 : index
    %get3A_5 = vector.load %arg0[%get3A_2, %get3A_3, %get3A_4] : memref<2x5056x128xf32, #tpu.memory_space<vmem>>, vector<1x5056x128xf32>
    %get3A_6 = vector.shape_cast %get3A_5 : vector<1x5056x128xf32> to vector<5056x128xf32>
    %slice3A = vector.extract_strided_slice %get3A_6 {offsets = [0, 0], sizes = [5000, 128], strides = [1, 1]} : vector<5056x128xf32> to vector<5000x128xf32>
    %get3A_7 = arith.constant 1 : index
    %get3A_8 = arith.constant 0 : index
    %get3A_9 = arith.constant 0 : index
    %get3A_10 = vector.load %arg0[%get3A_7, %get3A_8, %get3A_9] : memref<2x5056x128xf32, #tpu.memory_space<vmem>>, vector<1x5056x128xf32>
    %get3A_11 = vector.shape_cast %get3A_10 : vector<1x5056x128xf32> to vector<5056x128xf32>
    %slice3A_12 = vector.extract_strided_slice %get3A_11 {offsets = [0, 0], sizes = [5000, 128], strides = [1, 1]} : vector<5056x128xf32> to vector<5000x128xf32>
    %add3A = arith.addf %slice3A, %slice3A_12 : vector<5000x128xf32>
    %get3A_13 = arith.constant 0 : index
    %get3A_14 = arith.constant 0 : index
    %get3A_15 = vector.load %arg1[%get3A_13, %get3A_14] : memref<5000x128xf32, #tpu.memory_space<vmem>>, vector<5000x128xf32>
    %add3A_16 = arith.addf %add3A, %get3A_15 : vector<5000x128xf32>
    %mul3A = arith.mulf %get3A_1, %add3A_16 : vector<5000x128xf32>
    %get3A_17 = arith.constant 0 : index
    %get3A_18 = arith.constant 0 : index
    %get3A_19 = vector.load %arg3[%get3A_17, %get3A_18] : memref<1x128xf32, #tpu.memory_space<vmem>>, vector<1x128xf32>
    %add3A_20 = vector.broadcast %get3A_19 : vector<1x128xf32> to vector<5000x128xf32>
    %add3A_21 = arith.addf %mul3A, %add3A_20 : vector<5000x128xf32>
    %max3A = arith.constant 0.000000e+00 : f32
    %max3A_22 = vector.broadcast %max3A : f32 to vector<5000x128xf32>
    %max3A_23 = arith.maximumf %add3A_21, %max3A_22 : vector<5000x128xf32>
    %get3A_24 = arith.constant 0 : index
    %get3A_25 = arith.constant 0 : index
    %get3A_26 = vector.load %arg4[%get3A_24, %get3A_25] : memref<128x128xf32, #tpu.memory_space<vmem>>, vector<128x128xf32>
    %dot_general3A = arith.constant dense<0.000000e+00> : vector<5000x128xf32>
    %dot_general3A_27 = tpu.matmul %max3A_23, %get3A_26, %dot_general3A {dimension_numbers = #tpu.dot_dimension_numbers<[1], [0], [0], [1], [0, 0, 1, 1], [], []>, transpose_lhs_hint = false} : vector<5000x128xf32>, vector<128x128xf32>, vector<5000x128xf32> -> vector<5000x128xf32>
    %mul3A_28 = arith.mulf %get3A_1, %dot_general3A_27 : vector<5000x128xf32>
    %swap3A = arith.constant 0 : index
    %swap3A_29 = arith.constant 0 : index
    %swap3A_30 = vector.load %arg5[%swap3A, %swap3A_29] : memref<5000x128xf32, #tpu.memory_space<vmem>>, vector<5000x128xf32>
    tpu.vector_store %arg5[%swap3A, %swap3A_29], %mul3A_28 {strides = array<i32>} : memref<5000x128xf32, #tpu.memory_space<vmem>>, vector<5000x128xf32>,
    return
  }
}

module attributes {stable_mosaic.version = 14 : i64} {
  func.func @body(%arg0: memref<2x5056x128xf32, #tpu.memory_space<vmem>>, %arg1: memref<5000x128xf32, #tpu.memory_space<vmem>>, %arg2: memref<5056x128xf32, #tpu.memory_space<vmem>>, %arg3: memref<1x128xf32, #tpu.memory_space<vmem>>, %arg4: memref<1x5000xi32, #tpu.memory_space<vmem>>, %arg5: memref<1x5000xi32, #tpu.memory_space<vmem>>, %arg6: memref<64x1xf32, #tpu.memory_space<vmem>>, %arg7: memref<1x1xf32, #tpu.memory_space<vmem>>, %arg8: memref<64x1xf32, #tpu.memory_space<vmem>>) attributes {dimension_semantics = [], scalar_prefetch = 0 : i64, scratch_operands = 0 : i64, tpu.core_type = #tpu.core_type<tc>} {
    %get3A = arith.constant 0 : index
    %get3A_0 = arith.constant 0 : index
    %get3A_1 = vector.load %arg2[%get3A, %get3A_0] : memref<5056x128xf32, #tpu.memory_space<vmem>>, vector<5000x128xf32>
    %get3A_2 = arith.constant 0 : index
    %get3A_3 = arith.constant 0 : index
    %get3A_4 = arith.constant 0 : index
    %get3A_5 = vector.load %arg0[%get3A_2, %get3A_3, %get3A_4] : memref<2x5056x128xf32, #tpu.memory_space<vmem>>, vector<1x5056x128xf32>
    %get3A_6 = vector.shape_cast %get3A_5 : vector<1x5056x128xf32> to vector<5056x128xf32>
    %slice3A = vector.extract_strided_slice %get3A_6 {offsets = [0, 0], sizes = [5000, 128], strides = [1, 1]} : vector<5056x128xf32> to vector<5000x128xf32>
    %get3A_7 = arith.constant 1 : index
    %get3A_8 = arith.constant 0 : index
    %get3A_9 = arith.constant 0 : index
    %get3A_10 = vector.load %arg0[%get3A_7, %get3A_8, %get3A_9] : memref<2x5056x128xf32, #tpu.memory_space<vmem>>, vector<1x5056x128xf32>
    %get3A_11 = vector.shape_cast %get3A_10 : vector<1x5056x128xf32> to vector<5056x128xf32>
    %slice3A_12 = vector.extract_strided_slice %get3A_11 {offsets = [0, 0], sizes = [5000, 128], strides = [1, 1]} : vector<5056x128xf32> to vector<5000x128xf32>
    %add3A = arith.addf %slice3A, %slice3A_12 : vector<5000x128xf32>
    %get3A_13 = arith.constant 0 : index
    %get3A_14 = arith.constant 0 : index
    %get3A_15 = vector.load %arg1[%get3A_13, %get3A_14] : memref<5000x128xf32, #tpu.memory_space<vmem>>, vector<5000x128xf32>
    %add3A_16 = arith.addf %add3A, %get3A_15 : vector<5000x128xf32>
    %mul3A = arith.mulf %get3A_1, %add3A_16 : vector<5000x128xf32>
    %get3A_17 = arith.constant 0 : index
    %get3A_18 = arith.constant 0 : index
    %get3A_19 = vector.load %arg3[%get3A_17, %get3A_18] : memref<1x128xf32, #tpu.memory_space<vmem>>, vector<1x128xf32>
    %add3A_20 = vector.broadcast %get3A_19 : vector<1x128xf32> to vector<5000x128xf32>
    %add3A_21 = arith.addf %mul3A, %add3A_20 : vector<5000x128xf32>
    %max3A = arith.constant 0.000000e+00 : f32
    %max3A_22 = vector.broadcast %max3A : f32 to vector<5000x128xf32>
    %max3A_23 = arith.maximumf %add3A_21, %max3A_22 : vector<5000x128xf32>
    %iota3A = tpu.iota {dimensions = array<i32: 0>} : vector<64x5000xi32>
    %get3A_24 = arith.constant 0 : index
    %get3A_25 = arith.constant 0 : index
    %get3A_26 = vector.load %arg4[%get3A_24, %get3A_25] : memref<1x5000xi32, #tpu.memory_space<vmem>>, vector<1x5000xi32>
    %eq3A = vector.broadcast %get3A_26 : vector<1x5000xi32> to vector<64x5000xi32>
    %eq3A_27 = arith.cmpi eq, %eq3A, %iota3A : vector<64x5000xi32>
    %jit3A = arith.constant 1.000000e+00 : f32
    %jit3A_28 = arith.constant 0.000000e+00 : f32
    %broadcast_in_dim3A = vector.broadcast %jit3A : f32 to vector<64x5000xf32>
    %broadcast_in_dim3A_29 = vector.broadcast %jit3A_28 : f32 to vector<64x5000xf32>
    %select_n3A = arith.select %eq3A_27, %broadcast_in_dim3A, %broadcast_in_dim3A_29 : vector<64x5000xi1>, vector<64x5000xf32>
    %get3A_30 = arith.constant 0 : index
    %get3A_31 = arith.constant 0 : index
    %get3A_32 = vector.load %arg5[%get3A_30, %get3A_31] : memref<1x5000xi32, #tpu.memory_space<vmem>>, vector<1x5000xi32>
    %eq3A_33 = vector.broadcast %get3A_32 : vector<1x5000xi32> to vector<64x5000xi32>
    %eq3A_34 = arith.cmpi eq, %eq3A_33, %iota3A : vector<64x5000xi32>
    %jit3A_35 = arith.constant 1.000000e+00 : f32
    %jit3A_36 = arith.constant 0.000000e+00 : f32
    %broadcast_in_dim3A_37 = vector.broadcast %jit3A_35 : f32 to vector<64x5000xf32>
    %broadcast_in_dim3A_38 = vector.broadcast %jit3A_36 : f32 to vector<64x5000xf32>
    %select_n3A_39 = arith.select %eq3A_34, %broadcast_in_dim3A_37, %broadcast_in_dim3A_38 : vector<64x5000xi1>, vector<64x5000xf32>
    %slice3A_40 = vector.extract_strided_slice %max3A_23 {offsets = [0, 0], sizes = [5000, 64], strides = [1, 1]} : vector<5000x128xf32> to vector<5000x64xf32>
    %dot_general3A = arith.constant dense<0.000000e+00> : vector<64x64xf32>
    %dot_general3A_41 = tpu.matmul %select_n3A, %slice3A_40, %dot_general3A {dimension_numbers = #tpu.dot_dimension_numbers<[1], [0], [0], [1], [0, 0, 1, 1], [], []>, transpose_lhs_hint = false} : vector<64x5000xf32>, vector<5000x64xf32>, vector<64x64xf32> -> vector<64x64xf32>
    %slice3A_42 = vector.extract_strided_slice %max3A_23 {offsets = [0, 64], sizes = [5000, 64], strides = [1, 1]} : vector<5000x128xf32> to vector<5000x64xf32>
    %dot_general3A_43 = arith.constant dense<0.000000e+00> : vector<64x64xf32>
    %dot_general3A_44 = tpu.matmul %select_n3A_39, %slice3A_42, %dot_general3A_43 {dimension_numbers = #tpu.dot_dimension_numbers<[1], [0], [0], [1], [0, 0, 1, 1], [], []>, transpose_lhs_hint = false} : vector<64x5000xf32>, vector<5000x64xf32>, vector<64x64xf32> -> vector<64x64xf32>
    %add3A_45 = arith.addf %dot_general3A_41, %dot_general3A_44 : vector<64x64xf32>
    %reduce_sum3A = arith.constant dense<0.000000e+00> : vector<64xf32>
    %reduce_sum3A_46 = vector.multi_reduction <add>, %select_n3A, %reduce_sum3A [1] : vector<64x5000xf32> to vector<64xf32>
    %broadcast_in_dim3A_47 = vector.shape_cast %reduce_sum3A_46 : vector<64xf32> to vector<64x1xf32>
    %reduce_sum3A_48 = arith.constant dense<0.000000e+00> : vector<64xf32>
    %reduce_sum3A_49 = vector.multi_reduction <add>, %select_n3A_39, %reduce_sum3A_48 [1] : vector<64x5000xf32> to vector<64xf32>
    %broadcast_in_dim3A_50 = vector.shape_cast %reduce_sum3A_49 : vector<64xf32> to vector<64x1xf32>
    %add3A_51 = arith.addf %broadcast_in_dim3A_47, %broadcast_in_dim3A_50 : vector<64x1xf32>
    %max3A_52 = arith.constant 1.000000e+00 : f32
    %max3A_53 = vector.broadcast %max3A_52 : f32 to vector<64x1xf32>
    %max3A_54 = arith.maximumf %add3A_51, %max3A_53 : vector<64x1xf32>
    %div3A = vector.broadcast %max3A_54 : vector<64x1xf32> to vector<64x64xf32>
    %div3A_55 = arith.divf %add3A_45, %div3A : vector<64x64xf32>
    %get3A_56 = arith.constant 0 : index
    %get3A_57 = arith.constant 0 : index
    %get3A_58 = vector.load %arg6[%get3A_56, %get3A_57] : memref<64x1xf32, #tpu.memory_space<vmem>>, vector<64x1xf32>
    %dot_general3A_59 = arith.constant dense<0.000000e+00> : vector<64x1xf32>
    %dot_general3A_60 = tpu.matmul %div3A_55, %get3A_58, %dot_general3A_59 {dimension_numbers = #tpu.dot_dimension_numbers<[1], [0], [0], [1], [0, 0, 1, 1], [], []>, transpose_lhs_hint = false} : vector<64x64xf32>, vector<64x1xf32>, vector<64x1xf32> -> vector<64x1xf32>
    %get3A_61 = arith.constant 0 : index
    %get3A_62 = arith.constant 0 : index
    %get3A_63 = vector.load %arg7[%get3A_61, %get3A_62] : memref<1x1xf32, #tpu.memory_space<vmem>>, vector<1x1xf32>
    %add3A_64 = vector.broadcast %get3A_63 : vector<1x1xf32> to vector<64x1xf32>
    %add3A_65 = arith.addf %dot_general3A_60, %add3A_64 : vector<64x1xf32>
    %logistic3A = arith.negf %add3A_65 : vector<64x1xf32>
    %logistic3A_66 = math.exp %logistic3A : vector<64x1xf32>
    %logistic3A_67 = arith.constant 1.000000e+00 : f32
    %logistic3A_68 = vector.broadcast %logistic3A_67 : f32 to vector<64x1xf32>
    %logistic3A_69 = arith.addf %logistic3A_68, %logistic3A_66 : vector<64x1xf32>
    %logistic3A_70 = arith.divf %logistic3A_68, %logistic3A_69 : vector<64x1xf32>
    %swap3A = arith.constant 0 : index
    %swap3A_71 = arith.constant 0 : index
    %swap3A_72 = vector.load %arg8[%swap3A, %swap3A_71] : memref<64x1xf32, #tpu.memory_space<vmem>>, vector<64x1xf32>
    tpu.vector_store %arg8[%swap3A, %swap3A_71], %logistic3A_70 {strides = array<i32>} : memref<64x1xf32, #tpu.memory_space<vmem>>, vector<64x1xf32>,
    return
  }
}

</mosaic_0001>

<sc_bundles>
// kernel: kernel.12.cloned.1.call-start
scs
__scs_entry_jumppad:
0x0: {  	(pc) =	sbr.rel $0x88, $3  }
0x1: {  	(tag) =	ssettag $0x0;
	lr =	simm.s32 $0x1  }
0x2: {  	[smem:$0x3F98] =	sst lr;
	_ =	strace $0xD0000000  }
0x3: {  	_ = 	snop  }
0x4: {  	_ = 	snop  }
0x5: {  	_ = 	snop  }
0x6: {  	_ = 	snop  }
0x7: {  	_ = 	snop  }
__scs_overlays_trampoline_lowered:
0x8: {  	[smem:$0x3FA7] =	sst s0  }
0x9: {  	[smem:$0x3FA8] =	sst s1  }
0xa: {  	[smem:$0x3FA9] =	sst s2  }
0xb: {  	[smem:$0x3FAA] =	sst s3  }
0xc: {  	[smem:$0x3FAB] =	sst s4  }
0xd: {  	[smem:$0x3FAC] =	sst s5  }
0xe: {  	[smem:$0x3FAD] =	sst s6  }
0xf: {  	[smem:$0x3FAE] =	sst s7  }
0x10: {  	[smem:$0x3FAF] =	sst s8  }
0x11: {  	[smem:$0x3FB0] =	sst s9;
	s0 =	simm.s32 @!p0 $0x0  }
0x12: {  	s1 =	sld [smem:$0x3F96];
	s0 =	simm.s32 @p0 $0x1  }
0x13: {  	[smem:$0x3FB1] =	sst s0;
	s0 =	simm.s32 @!p1 $0x0  }
0x14: {  	s2 =	sld [smem:$0x3F95];
	s0 =	simm.s32 @p1 $0x1  }
0x15: {  	[smem:$0x3FB2] =	sst s0;
	s0 =	simm.s32 @!p2 $0x0  }
0x16: {  	s3 =	sld [smem:$0x3FDB];
	s0 =	simm.s32 @p2 $0x1  }
0x17: {  	s4 =	simm.s32 $0x1BF5;
	[smem:$0x3FB4] =	sst s0  }
0x18: {  	s0 =	sld [smem:$0x3F97];
	_ =	swait.ge [sflag:s4], $0x0  }
0x19: {  	s7 =	sld [smem:$0x3F98]  }
0x1a: {  	s8 =	sadd.s32 $0xFFFFE003, lr  }
0x1b: {  	s9 =	sadd.s32 $0xFFFFFEF7, lr;
	s5 =	simm.s32 $0xFFFFFFFF;
	p2 =	slt.u32 s8, $0xFFFFF086  }
0x1c: {  	p1 =	slt.u32 s9, $0xF7A;
	s5 =	simm.s32 @!p2 $0x0  }
0x1d: {  	s5 =	simm.s32 @p1 $0x1;
	p0 =	seq.s32 s7, s2  }
0x1e: {  	s7 =	smul.u32 @!p0 $0xF7A, s2;
	p2 =	seq.s32 @!p0 s5, $0x0  }
0x1f: {  	s9 =	smul.u32 $0xF7A, s1;
	s8 =	simm.s32 @!p0 $0x1BF5;
	p2 =	por !p2, p0  }
0x20: {  	[sflag:s8] =	ssyncset.s32 @!p0 $0xFFFFF086;
	s6 =	sadd.s32 @!p0 s3, s7;
	s7 =	simm.s32 @!p0 $0x108  }
0x21: {  	s3 =	sadd.s32 s3, s9;
	s6 =	sadd.s32 @!p0 $0x88, s6;
	s7 =	simm.s32 @p2 $0x1082  }
0x22: {  	[simem:s7], [sflag:s8] =	dma.local @!p0 [hbm:s6], $0xF7A  }
0x23: {  	s9 =	sor.u32 $0xD0000000, s2;
	s6 =	simm.s32 $0x108;
	_ =	swait.ge @!p0 [sflag:s8], $0x0  }
0x24: {  	s3 =	sadd.s32 $0x88, s3;
	s6 =	simm.s32 @!p1 $0x1082;
	[sflag:s4] =	ssyncset.s32 $0xFFFFF086  }
0x25: {  	[simem:s6], [sflag:s4] =	dma.local [hbm:s3], $0xF7A  }
0x26: {  	[smem:$0x3F98] =	sst s1;
	(tag) =	ssettag s2;
	_ =	strace s9  }
0x27: {  	s1 =	sld [smem:$0x3FA8]  }
0x28: {  	s2 =	sld [smem:$0x3FA9]  }
0x29: {  	s4 =	sld [smem:$0x3FAB]  }
0x2a: {  	p0 =	seq.s32 s5, $0x0;
	s5 =	sld [smem:$0x3FAC]  }
0x2b: {  	s6 =	sld [smem:$0x3FAD]  }
0x2c: {  	s7 =	sld [smem:$0x3FAE]  }
0x2d: {  	s3 =	simm.s32 $0x108;
	s8 =	sld [smem:$0x3FAF]  }
0x2e: {  	s3 =	simm.s32 @!p0 $0x1082;
	s9 =	sld [smem:$0x3FB0]  }
0x2f: {  	lr =	sadd.s32 s0, s3;
	s0 =	sld [smem:$0x3FA7]  }
0x30: {  	s3 =	sld [smem:$0x3FAA]  }
0x31: {  	[smem:$0x3FB3] =	sst s10  }
0x32: {  	s10 =	sld [smem:$0x3FB1];
	_ =	sdelay $0x3  }
0x33: {  	p0 =	seq.s32 s10, $0x1;
	s10 =	sld [smem:$0x3FB3];
	_ =	sdelay $0x3  }
0x34: {  	[smem:$0x3FB3] =	sst s10  }
0x35: {  	s10 =	sld [smem:$0x3FB2];
	_ =	sdelay $0x3  }
0x36: {  	p1 =	seq.s32 s10, $0x1;
	s10 =	sld [smem:$0x3FB3];
	_ =	sdelay $0x3  }
0x37: {  	[smem:$0x3FB3] =	sst s10  }
0x38: {  	s10 =	sld [smem:$0x3FB4]  }
0x39: {  	_ = 	snop;
	(pc) =	sbr.ind lr, $3  }
0x3a: {  	_ = 	snop  }
0x3b: {  	_ = 	snop  }
0x3c: {  	p2 =	seq.s32 s10, $0x1;
	s10 =	sld [smem:$0x3FB3]  }
0x3d: {  	_ =	shalt  }
0x3e: {  	_ =	shalt  }
0x3f: {  	_ =	shalt  }
0x40: {  	_ =	shalt  }
0x41: {  	_ =	shalt  }
0x42: {  	_ =	shalt  }
0x43: {  	_ =	shalt  }
0x44: {  	_ =	shalt  }
0x45: {  	_ =	shalt  }
0x46: {  	_ =	shalt  }
0x47: {  	_ =	shalt  }
0x48: {  	_ =	shalt  }
0x49: {  	_ =	shalt  }
0x4a: {  	_ =	shalt  }
0x4b: {  	_ =	shalt  }
0x4c: {  	_ =	shalt  }
0x4d: {  	_ =	shalt  }
0x4e: {  	_ =	shalt  }
0x4f: {  	_ =	shalt  }
0x50: {  	_ =	shalt  }
0x51: {  	_ =	shalt  }
0x52: {  	_ =	shalt  }
0x53: {  	_ =	shalt  }
0x54: {  	_ =	shalt  }
0x55: {  	_ =	shalt  }
0x56: {  	_ =	shalt  }
0x57: {  	_ =	shalt  }
0x58: {  	_ =	shalt  }
0x59: {  	_ =	shalt  }
0x5a: {  	_ =	shalt  }
0x5b: {  	_ =	shalt  }
0x5c: {  	_ =	shalt  }
0x5d: {  	_ =	shalt  }
0x5e: {  	_ =	shalt  }
0x5f: {  	_ =	shalt  }
0x60: {  	_ =	shalt  }
0x61: {  	_ =	shalt  }
0x62: {  	_ =	shalt  }
0x63: {  	_ =	shalt  }
0x64: {  	_ =	shalt  }
0x65: {  	_ =	shalt  }
0x66: {  	_ =	shalt  }
0x67: {  	_ =	shalt  }
0x68: {  	_ =	shalt  }
0x69: {  	_ =	shalt  }
0x6a: {  	_ =	shalt  }
0x6b: {  	_ =	shalt  }
0x6c: {  	_ =	shalt  }
0x6d: {  	_ =	shalt  }
0x6e: {  	_ =	shalt  }
0x6f: {  	_ =	shalt  }
0x70: {  	_ =	shalt  }
0x71: {  	_ =	shalt  }
0x72: {  	_ =	shalt  }
0x73: {  	_ =	shalt  }
0x74: {  	_ =	shalt  }
0x75: {  	_ =	shalt  }
0x76: {  	_ =	shalt  }
0x77: {  	_ =	shalt  }
0x78: {  	_ =	shalt  }
0x79: {  	_ =	shalt  }
0x7a: {  	_ =	shalt  }
0x7b: {  	_ =	shalt  }
0x7c: {  	_ =	shalt  }
0x7d: {  	_ =	shalt  }
0x7e: {  	_ =	shalt  }
0x7f: {  	_ =	shalt  }
0x80: {  	_ =	shalt  }
0x81: {  	_ =	shalt  }
0x82: {  	_ =	shalt  }
0x83: {  	_ =	shalt  }
0x84: {  	_ =	shalt  }
0x85: {  	_ =	shalt  }
0x86: {  	_ =	shalt  }
0x87: {  	_ =	shalt  }
.Lfunc_end0:
.L_simem_size_0:
called_computation.1_lowered:
.L_overlay_start_0:
0x88: {  	s2 =	sld [smem:$0x3FD9]  }
0x89: {  	s3 =	sld [smem:$0x3FFE];
	_ =	sdelay $0x1  }
0x8a: {  	s1 =	srdreg.scid  }
0x8b: {  	s0 =	sand.u32 $0x1, s1  }
0x8c: {  	s16 =	sshll.u32 s0, $0xA;
	s2 =	sadd.s32 s3, s2  }
0x8d: {  	s2 =	sadd.s32 s2, s16  }
0x8e: {  	[smem:$0x3FBF] =	sst s2  }
0x8f: {  	_ = 	snop  }
0x90: {  	(tm) =	ssettm $0x1  }
0x91: {  	s17 =	sld [smem:$0x3FFB];
	_ =	sdelay $0x3  }
0x92: {  	_ =	strace s17  }
0x93: {  	s2 =	sld [smem:$0x3FFC];
	_ =	sdelay $0x3  }
0x94: {  	_ =	strace s2  }
0x95: {  	s2 =	sld [smem:$0x3FFD];
	_ =	sdelay $0x3  }
0x96: {  	_ =	strace s2  }
0x97: {  	_ =	strace $0x8FFFFFFF  }
0x98: {  	s18 =	sld [smem:$0x3FDB];
	_ =	sdelay $0x1  }
0x99: {  	s19 =	simm.s32 $_scs_section_size  }
0x9a: {  	s4 =	simm.s32 $_size__tile_overlayer_lowered;
	s5 =	simm.s32 $_tile_overlayer_lowered  }
0x9b: {  	s22 =	simm.s32 $0x1BFF;
	s21 =	sshll.u32 s5, $0x1;
	s2 =	sadd.s32 s19, s18  }
0x9c: {  	s6 =	simm.s32 $0x0;
	s20 =	sshll.u32 s4, $0x1;
	s4 =	sadd.s32 s21, s2  }
0x9d: {  	[timem:s6], [sflag:s22] =	dma.local [hbm:s4], s20  }
0x9e: {  	_ =	swait.ge [sflag:s22], s20  }
0x9f: {  	s3 =	ssub.s32 $0x0, s20;
	[sflag:s22] =	ssyncset.done $0x0  }
0xa0: {  	[sflag:s22] =	ssyncadd.s32 s3;
	_ =	sdelay $0x1  }
0xa1: {  	s23 =	simm.s32 $0x1B8B  }
0xa2: {  	_ =	swait.ge [sflag:s23], $0x1  }
0xa3: {  	[sflag:s23] =	ssyncset.done $0x0  }
0xa4: {  	s25 =	simm.s32 $0x1B8E;
	s24 =	sld [smem:$0x3FFE];
	[sflag:s23] =	ssyncadd.s32 $0xFFFFFFFF  }
0xa5: {  	s26 =	simm.s32 $execute0_lowered;
	[smem:$0x3FD2] =	sst s25  }
0xa6: {  	s4 =	sshll.u32 s26, $0x1;
	_ =	strace $0x80000049;
	[dreg:$0x1] =	wrdreg $0xFFFFFFFF  }
0xa7: {  	s28 =	simm.s32 $_size_execute0_lowered;
	s2 =	sadd.s32 s2, s4;
	[dreg:$0x0] =	wrdreg $0x0  }
0xa8: {  	s4 =	sshll.u32 s28, $0x1;
	[dreg:$0x2] =	wrdreg s2  }
0xa9: {  	[dreg:$0x3] =	wrdreg s4  }
0xaa: {  	[dreg:$0x4] =	wrdreg $0xC0  }
0xab: {  	_ =	task [dreg:s6], $0x5FFFF  }
0xac: {  	[dreg:$0x1] =	wrdreg $0xFFFFFFFF  }
0xad: {  	[dreg:$0x0] =	wrdreg $0x60  }
0xae: {  	[dreg:$0x2] =	wrdreg s24  }
0xaf: {  	[dreg:$0x3] =	wrdreg $0xD0000  }
0xb0: {  	[dreg:$0x4] =	wrdreg $0x9  }
0xb1: {  	_ =	task.clear_ibuf [dreg:s6], $0x5FFFF;
	_ =	strace $0x90000049  }
0xb2: {  	s29 =	simm.s32 $0x9;
	_ =	strace $0x8000004B  }
0xb3: {  	_ =	swait.ge [sflag:s29], $0x1  }
0xb4: {  	[sflag:s29] =	ssyncadd.s32 $0xFFFFFFFF  }
0xb5: {  	_ =	strace $0x9000004B  }
0xb6: {  	_ =	sfence  }
0xb7: {  	s30 =	sld [smem:$0x0];
	_ =	sdelay $0x2  }
0xb8: {  	s31 =	sshll.u32 s1, $0xD;
	s1 =	sshrl.u32 s1, $0x2  }
0xb9: {  	s3 =	sand.u32 $0x4000, s31;
	s1 =	sadd.s32 s1, s30  }
0xba: {  	s0 =	sor.u32 s3, s0;
	s1 =	sshll.u32 s1, $0x11  }
0xbb: {  	s0 =	sor.u32 s1, s0  }
0xbc: {  	s0 =	sadd.s32 $0x8F2B, s0  }
0xbd: {  	[sflag:s0] =	ssyncadd.remote.s32 $0x1  }
0xbe: {  	_ =	sfence.sel $0xFFFF  }
0xbf: {  	[dreg:$0x0] =	wrdreg $0xFFFFFFFF;
	(pc) =	sbr.abs _section_cstart, $3  }
0xc0: {  	[dreg:$0x1] =	wrdreg $0xFFFFFFFF  }
0xc1: {  	_ =	task.clear_ibuf [dreg:s6], $0x2FFFF;
	_ =	strace $0x9FFFFFFF  }
0xc2: {  	(tm) =	ssettm $0x7FFFFFFF  }
0xc3: {  	_ =	shalt  }
tec
execute0_lowered:
.L_overlay_start_1:
0x0: {  	(tag) =	ssettag $0x1  }
0x1: {  	s0 =	srdreg.scid;
	s1 =	rddreg [dreg:$0x0]  }
0x2: {  	s14 =	stileid.u32;
	s2 =	rddreg [dreg:$0x1];
	s4 =	simm.s32 $0x0  }
0x3: {  	s16 =	simm.s32 $0x5;
	s17 =	simm.s32 $0x80;
	s18 =	simm.s32 $0x5000  }
0x4: {  	s19 =	simm.s32 $0x7000;
	s21 =	simm.s32 $0x9000;
	s23 =	simm.s32 $0xB000  }
0x5: {  	s24 =	simm.s32 $0x1;
	s25 =	simm.s32 $0x2;
	s28 =	simm.s32 $0x4  }
0x6: {  	s29 =	simm.s32 $0x4E00;
	s30 =	simm.s32 $0x4E80;
	s31 =	simm.s32 $0x4F00  }
0x7: {  	s0 =	sand.u32 $0x1, s0;
	[smem:$0x7FF] =	sst s4;
	s12 =	smul.u32 $0x9E00, s14  }
0x8: {  	s4 =	sadd.s32 $0x18800, s1;
	s6 =	sadd.s32 $0x18000, s1;
	s11 =	sadd.s32 $0x16500, s1  }
0x9: {  	s3 =	sshll.u32 s0, $0x4;
	s7 =	smul.u32 $0x9E000, s0;
	s0 =	ssub.s32 $0x2, s0  }
0xa: {  	_ =	strace $0x8000004A;
	s3 =	sor.u32 s14, s3;
	s10 =	sshrl.u32 s0, $0x1  }
0xb: {  	s26 =	sadd.s32 s12, s2;
	s14 =	sshll.u32 s14, $0x6;
	s5 =	smul.u32 $0x500, s3  }
0xc: {  	s8 =	sadd.s32 s12, s7;
	s7 =	sadd.s32 $0x16800, s1;
	s0 =	ssub.s32 s0, s10  }
0xd: {  	s10 =	sadd.s32 $0xC700, s1;
	p0 =	seq.s32 s3, $0x1F;
	s14 =	sor.u32 $0x1C05, s14  }
0xe: {  	s15 =	sshrl.u32 s26, $0x3;
	s26 =	simm.s32 $0x3;
	s8 =	sshrl.u32 s8, $0x3  }
0xf: {  	s9 =	sadd.s32 s5, s1;
	s5 =	sadd.s32 $0x17C00, s1;
	s13 =	sadd.s32 s8, s1  }
0x10: {  	s1 =	simm.s32 $0x4F80;
	s8 =	sadd.s32 $0x2C00, s9;
	s9 =	sadd.s32 $0xCA00, s9  }
0x11: {  	s12 =	sadd.s32 $0x2C600, s13;
	s13 =	smax.u32 s0, $0x1;
	s0 =	simm.s32 $0x0  }
.LBB2_1:
0x12: {  	s3 =	simm.s32 @p0 $0x0;
	s20 =	simm.s32 @p0 $0x5  }
0x13: {  	[tilespmem:s3], [sflag:$0x5] =	stream.linear.gather @p0 [hbm4b:s10+s3], $0xA00, $0x38;
	[tilespmem:$0x16E00] =	vst v63  }
0x14: {  	_ =	swait.ge @p0 [sflag:s20], $0xA00  }
0x15: {  	[sflag:s20] =	ssyncset.done @p0 $0x0  }
0x16: {  	s22 =	simm.s32 @p0 $0xA00;
	[sflag:s20] =	ssyncadd.s32 @p0 $0xFFFFF600  }
0x17: {  	[tilespmem:s22], [sflag:$0x5] =	stream.linear.gather @p0 [hbm4b:s5+s3], $0x1E00, $0x38;
	[tilespmem:$0x16E00] =	vst v63  }
0x18: {  	_ =	swait.ge @p0 [sflag:s20], $0x1E00  }
0x19: {  	[sflag:s20] =	ssyncset.done @p0 $0x0  }
0x1a: {  	s22 =	simm.s32 @p0 $0x2800;
	[sflag:s20] =	ssyncadd.s32 @p0 $0xFFFFE200  }
0x1b: {  	[tilespmem:s22], [sflag:$0x5] =	stream.linear.gather @p0 [hbm4b:s11+s3], $0xA00, $0x38;
	[tilespmem:$0x16E00] =	vst v63  }
0x1c: {  	_ =	swait.ge @p0 [sflag:s20], $0xA00  }
0x1d: {  	[sflag:s20] =	ssyncset.done @p0 $0x0  }
0x1e: {  	s22 =	simm.s32 @p0 $0x3200;
	[sflag:s20] =	ssyncadd.s32 @p0 $0xFFFFF600  }
0x1f: {  	[tilespmem:s22], [sflag:$0x5] =	stream.linear.gather @p0 [hbm4b:s6+s3], $0x1E00, $0x38;
	[tilespmem:$0x16E00] =	vst v63  }
0x20: {  	_ =	swait.ge @p0 [sflag:s20], $0x1E00  }
0x21: {  	[sflag:s20] =	ssyncset.done @p0 $0x0  }
0x22: {  	s3 =	simm.s32 @!p0 $0x0;
	[sflag:s20] =	ssyncadd.s32 @p0 $0xFFFFE200;
	s20 =	simm.s32 @!p0 $0x5  }
0x23: {  	[tilespmem:s3], [sflag:$0x5] =	stream.linear.gather @!p0 [hbm4b:s8+s3], $0x2800, $0x38;
	[tilespmem:$0x16E00] =	vst v63  }
0x24: {  	_ =	swait.ge @!p0 [sflag:s20], $0x2800  }
0x25: {  	[sflag:s20] =	ssyncset.done @!p0 $0x0  }
0x26: {  	s22 =	simm.s32 @!p0 $0x2800;
	[sflag:s20] =	ssyncadd.s32 @!p0 $0xFFFFD800  }
0x27: {  	[tilespmem:s22], [sflag:$0x5] =	stream.linear.gather @!p0 [hbm4b:s9+s3], $0x2800, $0x38;
	[tilespmem:$0x16E00] =	vst v63  }
0x28: {  	_ =	swait.ge @!p0 [sflag:s20], $0x2800  }
0x29: {  	[sflag:s20] =	ssyncset.done @!p0 $0x0  }
0x2a: {  	[sflag:s20] =	ssyncadd.s32 @!p0 $0xFFFFD800  }
0x2b: {  	[spmem:s15], [sflag:s14] =	dma.local [hbm:s7], $0x13C0  }
0x2c: {  	_ =	swait.ge [sflag:s16], $0x13C0  }
0x2d: {  	[sflag:s16] =	ssyncset.done $0x0  }
0x2e: {  	[sflag:s16] =	ssyncadd.s32 $0xFFFFEC40  }
0x2f: {  	s20 =	simm.s32 $0x0;
	[bflag:$0x0] =	sbarrier.arrive $0xFFFF  }
0x30: {  	[tilespmem:s18], [sflag:$0x1] =	stream.indirect.gather [hbm4b:s4+s17], $0x40, s20, s17, $0xb8;
	[tilespmem:$0x16E00] =	vst v63  }
0x31: {  	_ = 	snop  }
0x32: {  	[tilespmem:s19], [sflag:$0x2] =	stream.indirect.gather [hbm4b:s4+s17], $0x40, s17, s17, $0xb8;
	[tilespmem:$0x16E00] =	vst v63  }
0x33: {  	s22 =	simm.s32 $0x100  }
0x34: {  	[tilespmem:s21], [sflag:$0x3] =	stream.indirect.gather [hbm4b:s4+s17], $0x40, s22, s17, $0xb8;
	[tilespmem:$0x16E00] =	vst v63  }
0x35: {  	s20 =	simm.s32 $0x180  }
0x36: {  	[tilespmem:s23], [sflag:$0x4] =	stream.indirect.gather [hbm4b:s4+s17], $0x40, s20, s17, $0xb8;
	[tilespmem:$0x16E00] =	vst v63  }
0x37: {  	_ =	swait.ge [sflag:s24], $0x2000  }
0x38: {  	[sflag:s24] =	ssyncset.done $0x0  }
0x39: {  	s22 =	simm.s32 $0x2800;
	[sflag:s24] =	ssyncadd.s32 $0xFFFFE000  }
0x3a: {  	[spmem:s2] =	stream.indirect.scatter.add.f32 [tilespmem:s18], [sflag:$0x5], $0x40, s22, s17, $0xb8;
	[tilespmem:$0x16E00] =	vst v63  }
0x3b: {  	_ =	swait.ge [sflag:s16], $0x2000  }
0x3c: {  	[sflag:s16] =	ssyncset.done $0x0  }
0x3d: {  	s20 =	simm.s32 $0x200;
	[sflag:s16] =	ssyncadd.s32 $0xFFFFE000  }
0x3e: {  	[tilespmem:s18], [sflag:$0x1] =	stream.indirect.gather [hbm4b:s4+s17], $0x40, s20, s17, $0xb8;
	[tilespmem:$0x16E00] =	vst v63  }
0x3f: {  	_ =	swait.ge [sflag:s25], $0x2000  }
0x40: {  	[sflag:s25] =	ssyncset.done $0x0  }
0x41: {  	s22 =	simm.s32 $0x2880;
	[sflag:s25] =	ssyncadd.s32 $0xFFFFE000  }
0x42: {  	[spmem:s2] =	stream.indirect.scatter.add.f32 [tilespmem:s19], [sflag:$0x5], $0x40, s22, s17, $0xb8;
	[tilespmem:$0x16E00] =	vst v63  }
0x43: {  	_ =	swait.ge [sflag:s16], $0x2000  }
0x44: {  	[sflag:s16] =	ssyncset.done $0x0  }
0x45: {  	s20 =	simm.s32 $0x280;
	[sflag:s16] =	ssyncadd.s32 $0xFFFFE000  }
0x46: {  	[tilespmem:s19], [sflag:$0x2] =	stream.indirect.gather [hbm4b:s4+s17], $0x40, s20, s17, $0xb8;
	[tilespmem:$0x16E00] =	vst v63  }
0x47: {  	_ =	swait.ge [sflag:s26], $0x2000  }
0x48: {  	[sflag:s26] =	ssyncset.done $0x0  }
0x49: {  	s22 =	simm.s32 $0x2900;
	[sflag:s26] =	ssyncadd.s32 $0xFFFFE000  }
0x4a: {  	[spmem:s2] =	stream.indirect.scatter.add.f32 [tilespmem:s21], [sflag:$0x5], $0x40, s22, s17, $0xb8;
	[tilespmem:$0x16E00] =	vst v63  }
0x4b: {  	_ =	swait.ge [sflag:s16], $0x2000  }
0x4c: {  	[sflag:s16] =	ssyncset.done $0x0  }
0x4d: {  	s20 =	simm.s32 $0x300;
	[sflag:s16] =	ssyncadd.s32 $0xFFFFE000  }
0x4e: {  	[tilespmem:s21], [sflag:$0x3] =	stream.indirect.gather [hbm4b:s4+s17], $0x40, s20, s17, $0xb8;
	[tilespmem:$0x16E00] =	vst v63  }
0x4f: {  	_ =	swait.ge [sflag:s28], $0x2000  }
0x50: {  	[sflag:s28] =	ssyncset.done $0x0  }
0x51: {  	s22 =	simm.s32 $0x2980;
	[sflag:s28] =	ssyncadd.s32 $0xFFFFE000  }
0x52: {  	[spmem:s2] =	stream.indirect.scatter.add.f32 [tilespmem:s23], [sflag:$0x5], $0x40, s22, s17, $0xb8;
	[tilespmem:$0x16E00] =	vst v63  }
0x53: {  	_ =	swait.ge [sflag:s16], $0x2000  }
0x54: {  	[sflag:s16] =	ssyncset.done $0x0  }
0x55: {  	s3 =	simm.s32 $0x800;
	s20 =	simm.s32 $0x380;
	[sflag:s16] =	ssyncadd.s32 $0xFFFFE000  }
.LBB2_2:
0x56: {  	[tilespmem:s23], [sflag:$0x4] =	stream.indirect.gather [hbm4b:s4+s17], $0x40, s20, s17, $0xb8;
	[tilespmem:$0x16E00] =	vst v63  }
0x57: {  	s20 =	smov.u32 s3  }
0x58: {  	p1 =	sne.s32 s3, $0x9000;
	s3 =	sadd.s32 $0x800, s3;
	_ =	swait.ge [sflag:s24], $0x2000  }
0x59: {  	s20 =	sshra.s32 s20, $0x2;
	[sflag:s24] =	ssyncset.done $0x0  }
0x5a: {  	s22 =	sadd.s32 $0x2800, s20;
	[sflag:s24] =	ssyncadd.s32 $0xFFFFE000  }
0x5b: {  	[spmem:s2] =	stream.indirect.scatter.add.f32 [tilespmem:s18], [sflag:$0x5], $0x40, s22, s17, $0xb8;
	[tilespmem:$0x16E00] =	vst v63  }
0x5c: {  	_ =	swait.ge [sflag:s16], $0x2000  }
0x5d: {  	[sflag:s16] =	ssyncset.done $0x0  }
0x5e: {  	s22 =	sadd.s32 $0x200, s20;
	[sflag:s16] =	ssyncadd.s32 $0xFFFFE000  }
0x5f: {  	[tilespmem:s18], [sflag:$0x1] =	stream.indirect.gather [hbm4b:s4+s17], $0x40, s22, s17, $0xb8;
	[tilespmem:$0x16E00] =	vst v63  }
0x60: {  	_ =	swait.ge [sflag:s25], $0x2000  }
0x61: {  	[sflag:s25] =	ssyncset.done $0x0  }
0x62: {  	s22 =	sadd.s32 $0x2880, s20;
	[sflag:s25] =	ssyncadd.s32 $0xFFFFE000  }
0x63: {  	[spmem:s2] =	stream.indirect.scatter.add.f32 [tilespmem:s19], [sflag:$0x5], $0x40, s22, s17, $0xb8;
	[tilespmem:$0x16E00] =	vst v63  }
0x64: {  	_ =	swait.ge [sflag:s16], $0x2000  }
0x65: {  	[sflag:s16] =	ssyncset.done $0x0  }
0x66: {  	s22 =	sadd.s32 $0x280, s20;
	[sflag:s16] =	ssyncadd.s32 $0xFFFFE000  }
0x67: {  	[tilespmem:s19], [sflag:$0x2] =	stream.indirect.gather [hbm4b:s4+s17], $0x40, s22, s17, $0xb8;
	[tilespmem:$0x16E00] =	vst v63  }
0x68: {  	_ =	swait.ge [sflag:s26], $0x2000  }
0x69: {  	[sflag:s26] =	ssyncset.done $0x0  }
0x6a: {  	s22 =	sadd.s32 $0x2900, s20;
	[sflag:s26] =	ssyncadd.s32 $0xFFFFE000  }
0x6b: {  	[spmem:s2] =	stream.indirect.scatter.add.f32 [tilespmem:s21], [sflag:$0x5], $0x40, s22, s17, $0xb8;
	[tilespmem:$0x16E00] =	vst v63  }
0x6c: {  	_ =	swait.ge [sflag:s16], $0x2000  }
0x6d: {  	[sflag:s16] =	ssyncset.done $0x0  }
0x6e: {  	s22 =	sadd.s32 $0x300, s20;
	[sflag:s16] =	ssyncadd.s32 $0xFFFFE000  }
0x6f: {  	[tilespmem:s21], [sflag:$0x3] =	stream.indirect.gather [hbm4b:s4+s17], $0x40, s22, s17, $0xb8;
	[tilespmem:$0x16E00] =	vst v63  }
0x70: {  	_ =	swait.ge [sflag:s28], $0x2000  }
0x71: {  	[sflag:s28] =	ssyncset.done $0x0  }
.Ltmp0:
0x72: {  	s22 =	sadd.s32 $0x2980, s20;
	[sflag:s28] =	ssyncadd.s32 $0xFFFFE000;
	(pc) =	sbr.rel @p1 .LBB2_2-.Ltmp0, $4  }
0x73: {  	[spmem:s2] =	stream.indirect.scatter.add.f32 [tilespmem:s23], [sflag:$0x5], $0x40, s22, s17, $0xb8;
	[tilespmem:$0x16E00] =	vst v63  }
0x74: {  	_ =	swait.ge [sflag:s16], $0x2000  }
0x75: {  	[sflag:s16] =	ssyncset.done $0x0  }
0x76: {  	s20 =	sadd.s32 $0x380, s20;
	[sflag:s16] =	ssyncadd.s32 $0xFFFFE000  }
0x77: {  	[tilespmem:s23], [sflag:$0x4] =	stream.indirect.gather [hbm4b:s4+s17], $0x40, s20, s17, $0xb8;
	[tilespmem:$0x16E00] =	vst v63  }
0x78: {  	_ =	swait.ge [sflag:s24], $0x2000  }
0x79: {  	[sflag:s24] =	ssyncset.done $0x0  }
0x7a: {  	[sflag:s24] =	ssyncadd.s32 $0xFFFFE000  }
0x7b: {  	[spmem:s2] =	stream.indirect.scatter.add.f32 [tilespmem:s18], [sflag:$0x5], $0x40, s29, s17, $0xb8;
	[tilespmem:$0x16E00] =	vst v63  }
0x7c: {  	_ =	swait.ge [sflag:s16], $0x2000  }
0x7d: {  	[sflag:s16] =	ssyncset.done $0x0  }
0x7e: {  	[sflag:s16] =	ssyncadd.s32 $0xFFFFE000  }
0x7f: {  	_ =	swait.ge [sflag:s25], $0x2000  }
0x80: {  	[sflag:s25] =	ssyncset.done $0x0  }
0x81: {  	[sflag:s25] =	ssyncadd.s32 $0xFFFFE000  }
0x82: {  	[spmem:s2] =	stream.indirect.scatter.add.f32 [tilespmem:s19], [sflag:$0x5], $0x40, s30, s17, $0xb8;
	[tilespmem:$0x16E00] =	vst v63  }
0x83: {  	_ =	swait.ge [sflag:s16], $0x2000  }
0x84: {  	[sflag:s16] =	ssyncset.done $0x0  }
0x85: {  	[sflag:s16] =	ssyncadd.s32 $0xFFFFE000  }
0x86: {  	_ =	swait.ge [sflag:s26], $0x2000  }
0x87: {  	[sflag:s26] =	ssyncset.done $0x0  }
0x88: {  	[sflag:s26] =	ssyncadd.s32 $0xFFFFE000  }
0x89: {  	[spmem:s2] =	stream.indirect.scatter.add.f32 [tilespmem:s21], [sflag:$0x5], $0x40, s31, s17, $0xb8;
	[tilespmem:$0x16E00] =	vst v63  }
0x8a: {  	_ =	swait.ge [sflag:s16], $0x2000  }
0x8b: {  	[sflag:s16] =	ssyncset.done $0x0  }
0x8c: {  	[sflag:s16] =	ssyncadd.s32 $0xFFFFE000  }
0x8d: {  	_ =	swait.ge [sflag:s28], $0x2000  }
0x8e: {  	[sflag:s28] =	ssyncset.done $0x0  }
0x8f: {  	[sflag:s28] =	ssyncadd.s32 $0xFFFFE000  }
0x90: {  	[spmem:s2] =	stream.indirect.scatter.add.f32 [tilespmem:s23], [sflag:$0x5], $0x40, s1, s17, $0xb8;
	[tilespmem:$0x16E00] =	vst v63  }
0x91: {  	_ =	swait.ge [sflag:s16], $0x2000  }
0x92: {  	s0 =	sadd.s32 $0x1, s0;
	[sflag:s16] =	ssyncset.done $0x0  }
0x93: {  	p1 =	sne.s32 s0, s13;
	[sflag:s16] =	ssyncadd.s32 $0xFFFFE000  }
.Ltmp1:
0x94: {  	[bflag:$0x0] =	sbarrier.arrive $0xFFFF;
	(pc) =	sbr.rel @p1 .LBB2_1-.Ltmp1, $4  }
0x95: {  	[hbm:s12], [sflag:s14] =	dma.local [spmem:s15], $0x13C0  }
0x96: {  	_ =	swait.ge [sflag:s16], $0x13C0  }
0x97: {  	[sflag:s16] =	ssyncset.done $0x0  }
0x98: {  	[sflag:s16] =	ssyncadd.s32 $0xFFFFEC40  }
0x99: {  	_ =	sfence.sel $0x180000  }
0x9a: {  	[bflag:$0x0] =	sbarrier.arrive $0xFFFF  }
0x9b: {  	_ =	strace $0x9000004A  }
0x9c: {  	s0 =	stileid.u32;
	[bflag:$0x2] =	sbarrier.arrive $0xFFFF  }
0x9d: {  	p0 =	sne.s32 s0, $0x0;
	s0 =	rddreg [dreg:$0x2]  }
0x9e: {  	s0 =	sadd.s32 @!p0 $0x100000, s0  }
0x9f: {  	[sflag:s0] =	ssyncadd.tile.s32 @!p0 $0x1;
	_ =	shalt  }
.Lfunc_end2:
_tile_overlayer_lowered:
.L_overlay_start_2:
0xa0: {  	(tag) =	ssettag $0x2  }
0xa1: {  	s0 =	rddreg [dreg:$0x0];
	s2 =	stileid.u32  }
0xa2: {  	s1 =	rddreg [dreg:$0x1];
	p0 =	sne.s32 s2, $0x0  }
0xa3: {  	s3 =	rddreg [dreg:$0x2];
	[bflag:$0x3] =	sbarrier.arrive $0xFFFF;
	s2 =	simm.s32 @!p0 $0x1C05  }
0xa4: {  	[timem:s3], [sflag:s2] =	dma.local @!p0 [hbm:s0], s1  }
0xa5: {  	s0 =	simm.s32 @!p0 $0x5  }
0xa6: {  	_ =	swait.ge @!p0 [sflag:s0], s1  }
0xa7: {  	s1 =	ssub.s32 @!p0 $0x0, s1;
	[sflag:s0] =	ssyncset.done @!p0 $0x0  }
0xa8: {  	[sflag:s0] =	ssyncadd.s32 @!p0 s1  }
0xa9: {  	[bflag:$0x3] =	sbarrier.arrive $0xFFFF  }
0xaa: {  	_ =	shalt  }

// kernel: kernel.15.cloned.1.call-start
scs
__scs_entry_jumppad:
0x0: {  	(pc) =	sbr.rel $0x88, $3  }
0x1: {  	(tag) =	ssettag $0x0;
	lr =	simm.s32 $0x1  }
0x2: {  	[smem:$0x3F98] =	sst lr;
	_ =	strace $0xD0000000  }
0x3: {  	_ = 	snop  }
0x4: {  	_ = 	snop  }
0x5: {  	_ = 	snop  }
0x6: {  	_ = 	snop  }
0x7: {  	_ = 	snop  }
__scs_overlays_trampoline_lowered:
0x8: {  	[smem:$0x3FA7] =	sst s0  }
0x9: {  	[smem:$0x3FA8] =	sst s1  }
0xa: {  	[smem:$0x3FA9] =	sst s2  }
0xb: {  	[smem:$0x3FAA] =	sst s3  }
0xc: {  	[smem:$0x3FAB] =	sst s4  }
0xd: {  	[smem:$0x3FAC] =	sst s5  }
0xe: {  	[smem:$0x3FAD] =	sst s6  }
0xf: {  	[smem:$0x3FAE] =	sst s7  }
0x10: {  	[smem:$0x3FAF] =	sst s8  }
0x11: {  	[smem:$0x3FB0] =	sst s9;
	s0 =	simm.s32 @!p0 $0x0  }
0x12: {  	s1 =	sld [smem:$0x3F96];
	s0 =	simm.s32 @p0 $0x1  }
0x13: {  	[smem:$0x3FB1] =	sst s0;
	s0 =	simm.s32 @!p1 $0x0  }
0x14: {  	s2 =	sld [smem:$0x3F95];
	s0 =	simm.s32 @p1 $0x1  }
0x15: {  	[smem:$0x3FB2] =	sst s0;
	s0 =	simm.s32 @!p2 $0x0  }
0x16: {  	s3 =	sld [smem:$0x3FDB];
	s0 =	simm.s32 @p2 $0x1  }
0x17: {  	s4 =	simm.s32 $0x1BF5;
	[smem:$0x3FB4] =	sst s0  }
0x18: {  	s0 =	sld [smem:$0x3F97];
	_ =	swait.ge [sflag:s4], $0x0  }
0x19: {  	s7 =	sld [smem:$0x3F98]  }
0x1a: {  	s8 =	sadd.s32 $0xFFFFE003, lr  }
0x1b: {  	s9 =	sadd.s32 $0xFFFFFEF7, lr;
	s5 =	simm.s32 $0xFFFFFFFF;
	p2 =	slt.u32 s8, $0xFFFFF086  }
0x1c: {  	p1 =	slt.u32 s9, $0xF7A;
	s5 =	simm.s32 @!p2 $0x0  }
0x1d: {  	s5 =	simm.s32 @p1 $0x1;
	p0 =	seq.s32 s7, s2  }
0x1e: {  	s7 =	smul.u32 @!p0 $0xF7A, s2;
	p2 =	seq.s32 @!p0 s5, $0x0  }
0x1f: {  	s9 =	smul.u32 $0xF7A, s1;
	s8 =	simm.s32 @!p0 $0x1BF5;
	p2 =	por !p2, p0  }
0x20: {  	[sflag:s8] =	ssyncset.s32 @!p0 $0xFFFFF086;
	s6 =	sadd.s32 @!p0 s3, s7;
	s7 =	simm.s32 @!p0 $0x108  }
0x21: {  	s3 =	sadd.s32 s3, s9;
	s6 =	sadd.s32 @!p0 $0x88, s6;
	s7 =	simm.s32 @p2 $0x1082  }
0x22: {  	[simem:s7], [sflag:s8] =	dma.local @!p0 [hbm:s6], $0xF7A  }
0x23: {  	s9 =	sor.u32 $0xD0000000, s2;
	s6 =	simm.s32 $0x108;
	_ =	swait.ge @!p0 [sflag:s8], $0x0  }
0x24: {  	s3 =	sadd.s32 $0x88, s3;
	s6 =	simm.s32 @!p1 $0x1082;
	[sflag:s4] =	ssyncset.s32 $0xFFFFF086  }
0x25: {  	[simem:s6], [sflag:s4] =	dma.local [hbm:s3], $0xF7A  }
0x26: {  	[smem:$0x3F98] =	sst s1;
	(tag) =	ssettag s2;
	_ =	strace s9  }
0x27: {  	s1 =	sld [smem:$0x3FA8]  }
0x28: {  	s2 =	sld [smem:$0x3FA9]  }
0x29: {  	s4 =	sld [smem:$0x3FAB]  }
0x2a: {  	p0 =	seq.s32 s5, $0x0;
	s5 =	sld [smem:$0x3FAC]  }
0x2b: {  	s6 =	sld [smem:$0x3FAD]  }
0x2c: {  	s7 =	sld [smem:$0x3FAE]  }
0x2d: {  	s3 =	simm.s32 $0x108;
	s8 =	sld [smem:$0x3FAF]  }
0x2e: {  	s3 =	simm.s32 @!p0 $0x1082;
	s9 =	sld [smem:$0x3FB0]  }
0x2f: {  	lr =	sadd.s32 s0, s3;
	s0 =	sld [smem:$0x3FA7]  }
0x30: {  	s3 =	sld [smem:$0x3FAA]  }
0x31: {  	[smem:$0x3FB3] =	sst s10  }
0x32: {  	s10 =	sld [smem:$0x3FB1];
	_ =	sdelay $0x3  }
0x33: {  	p0 =	seq.s32 s10, $0x1;
	s10 =	sld [smem:$0x3FB3];
	_ =	sdelay $0x3  }
0x34: {  	[smem:$0x3FB3] =	sst s10  }
0x35: {  	s10 =	sld [smem:$0x3FB2];
	_ =	sdelay $0x3  }
0x36: {  	p1 =	seq.s32 s10, $0x1;
	s10 =	sld [smem:$0x3FB3];
	_ =	sdelay $0x3  }
0x37: {  	[smem:$0x3FB3] =	sst s10  }
0x38: {  	s10 =	sld [smem:$0x3FB4]  }
0x39: {  	_ = 	snop;
	(pc) =	sbr.ind lr, $3  }
0x3a: {  	_ = 	snop  }
0x3b: {  	_ = 	snop  }
0x3c: {  	p2 =	seq.s32 s10, $0x1;
	s10 =	sld [smem:$0x3FB3]  }
0x3d: {  	_ =	shalt  }
0x3e: {  	_ =	shalt  }
0x3f: {  	_ =	shalt  }
0x40: {  	_ =	shalt  }
0x41: {  	_ =	shalt  }
0x42: {  	_ =	shalt  }
0x43: {  	_ =	shalt  }
0x44: {  	_ =	shalt  }
0x45: {  	_ =	shalt  }
0x46: {  	_ =	shalt  }
0x47: {  	_ =	shalt  }
0x48: {  	_ =	shalt  }
0x49: {  	_ =	shalt  }
0x4a: {  	_ =	shalt  }
0x4b: {  	_ =	shalt  }
0x4c: {  	_ =	shalt  }
0x4d: {  	_ =	shalt  }
0x4e: {  	_ =	shalt  }
0x4f: {  	_ =	shalt  }
0x50: {  	_ =	shalt  }
0x51: {  	_ =	shalt  }
0x52: {  	_ =	shalt  }
0x53: {  	_ =	shalt  }
0x54: {  	_ =	shalt  }
0x55: {  	_ =	shalt  }
0x56: {  	_ =	shalt  }
0x57: {  	_ =	shalt  }
0x58: {  	_ =	shalt  }
0x59: {  	_ =	shalt  }
0x5a: {  	_ =	shalt  }
0x5b: {  	_ =	shalt  }
0x5c: {  	_ =	shalt  }
0x5d: {  	_ =	shalt  }
0x5e: {  	_ =	shalt  }
0x5f: {  	_ =	shalt  }
0x60: {  	_ =	shalt  }
0x61: {  	_ =	shalt  }
0x62: {  	_ =	shalt  }
0x63: {  	_ =	shalt  }
0x64: {  	_ =	shalt  }
0x65: {  	_ =	shalt  }
0x66: {  	_ =	shalt  }
0x67: {  	_ =	shalt  }
0x68: {  	_ =	shalt  }
0x69: {  	_ =	shalt  }
0x6a: {  	_ =	shalt  }
0x6b: {  	_ =	shalt  }
0x6c: {  	_ =	shalt  }
0x6d: {  	_ =	shalt  }
0x6e: {  	_ =	shalt  }
0x6f: {  	_ =	shalt  }
0x70: {  	_ =	shalt  }
0x71: {  	_ =	shalt  }
0x72: {  	_ =	shalt  }
0x73: {  	_ =	shalt  }
0x74: {  	_ =	shalt  }
0x75: {  	_ =	shalt  }
0x76: {  	_ =	shalt  }
0x77: {  	_ =	shalt  }
0x78: {  	_ =	shalt  }
0x79: {  	_ =	shalt  }
0x7a: {  	_ =	shalt  }
0x7b: {  	_ =	shalt  }
0x7c: {  	_ =	shalt  }
0x7d: {  	_ =	shalt  }
0x7e: {  	_ =	shalt  }
0x7f: {  	_ =	shalt  }
0x80: {  	_ =	shalt  }
0x81: {  	_ =	shalt  }
0x82: {  	_ =	shalt  }
0x83: {  	_ =	shalt  }
0x84: {  	_ =	shalt  }
0x85: {  	_ =	shalt  }
0x86: {  	_ =	shalt  }
0x87: {  	_ =	shalt  }
.Lfunc_end0:
.L_simem_size_0:
called_computation.2_lowered:
.L_overlay_start_0:
0x88: {  	s2 =	sld [smem:$0x3FD9]  }
0x89: {  	s3 =	sld [smem:$0x3FFE];
	_ =	sdelay $0x1  }
0x8a: {  	s1 =	srdreg.scid  }
0x8b: {  	s0 =	sand.u32 $0x1, s1  }
0x8c: {  	s16 =	sshll.u32 s0, $0xA;
	s2 =	sadd.s32 s3, s2  }
0x8d: {  	s2 =	sadd.s32 s2, s16  }
0x8e: {  	[smem:$0x3FBF] =	sst s2  }
0x8f: {  	_ = 	snop  }
0x90: {  	(tm) =	ssettm $0x1  }
0x91: {  	s17 =	sld [smem:$0x3FFB];
	_ =	sdelay $0x3  }
0x92: {  	_ =	strace s17  }
0x93: {  	s2 =	sld [smem:$0x3FFC];
	_ =	sdelay $0x3  }
0x94: {  	_ =	strace s2  }
0x95: {  	s2 =	sld [smem:$0x3FFD];
	_ =	sdelay $0x3  }
0x96: {  	_ =	strace s2  }
0x97: {  	_ =	strace $0x8FFFFFFF  }
0x98: {  	s18 =	sld [smem:$0x3FDB];
	_ =	sdelay $0x1  }
0x99: {  	s19 =	simm.s32 $_scs_section_size  }
0x9a: {  	s4 =	simm.s32 $_size__tile_overlayer_lowered;
	s5 =	simm.s32 $_tile_overlayer_lowered  }
0x9b: {  	s22 =	simm.s32 $0x1BFF;
	s21 =	sshll.u32 s5, $0x1;
	s2 =	sadd.s32 s19, s18  }
0x9c: {  	s6 =	simm.s32 $0x0;
	s20 =	sshll.u32 s4, $0x1;
	s4 =	sadd.s32 s21, s2  }
0x9d: {  	[timem:s6], [sflag:s22] =	dma.local [hbm:s4], s20  }
0x9e: {  	_ =	swait.ge [sflag:s22], s20  }
0x9f: {  	s3 =	ssub.s32 $0x0, s20;
	[sflag:s22] =	ssyncset.done $0x0  }
0xa0: {  	[sflag:s22] =	ssyncadd.s32 s3;
	_ =	sdelay $0x1  }
0xa1: {  	s23 =	simm.s32 $0x1B8B  }
0xa2: {  	_ =	swait.ge [sflag:s23], $0x1  }
0xa3: {  	[sflag:s23] =	ssyncset.done $0x0  }
0xa4: {  	s25 =	simm.s32 $0x1B8E;
	s24 =	sld [smem:$0x3FFE];
	[sflag:s23] =	ssyncadd.s32 $0xFFFFFFFF  }
0xa5: {  	s26 =	simm.s32 $execute0_lowered;
	[smem:$0x3FD2] =	sst s25  }
0xa6: {  	s4 =	sshll.u32 s26, $0x1;
	_ =	strace $0x8000004C;
	[dreg:$0x1] =	wrdreg $0xFFFFFFFF  }
0xa7: {  	s28 =	simm.s32 $_size_execute0_lowered;
	s2 =	sadd.s32 s2, s4;
	[dreg:$0x0] =	wrdreg $0x0  }
0xa8: {  	s4 =	sshll.u32 s28, $0x1;
	[dreg:$0x2] =	wrdreg s2  }
0xa9: {  	[dreg:$0x3] =	wrdreg s4  }
0xaa: {  	[dreg:$0x4] =	wrdreg $0xC0  }
0xab: {  	_ =	task [dreg:s6], $0x5FFFF  }
0xac: {  	[dreg:$0x1] =	wrdreg $0xFFFFFFFF  }
0xad: {  	[dreg:$0x0] =	wrdreg $0x60  }
0xae: {  	[dreg:$0x2] =	wrdreg s24  }
0xaf: {  	[dreg:$0x3] =	wrdreg $0xD0000  }
0xb0: {  	[dreg:$0x4] =	wrdreg $0x9  }
0xb1: {  	_ =	task.clear_ibuf [dreg:s6], $0x5FFFF;
	_ =	strace $0x9000004C  }
0xb2: {  	s29 =	simm.s32 $0x9;
	_ =	strace $0x8000004E  }
0xb3: {  	_ =	swait.ge [sflag:s29], $0x1  }
0xb4: {  	[sflag:s29] =	ssyncadd.s32 $0xFFFFFFFF  }
0xb5: {  	_ =	strace $0x9000004E  }
0xb6: {  	_ =	sfence  }
0xb7: {  	s30 =	sld [smem:$0x0];
	_ =	sdelay $0x2  }
0xb8: {  	s31 =	sshll.u32 s1, $0xD;
	s1 =	sshrl.u32 s1, $0x2  }
0xb9: {  	s3 =	sand.u32 $0x4000, s31;
	s1 =	sadd.s32 s1, s30  }
0xba: {  	s0 =	sor.u32 s3, s0;
	s1 =	sshll.u32 s1, $0x11  }
0xbb: {  	s0 =	sor.u32 s1, s0  }
0xbc: {  	s0 =	sadd.s32 $0x8F2B, s0  }
0xbd: {  	[sflag:s0] =	ssyncadd.remote.s32 $0x1  }
0xbe: {  	_ =	sfence.sel $0xFFFF  }
0xbf: {  	[dreg:$0x0] =	wrdreg $0xFFFFFFFF;
	(pc) =	sbr.abs _section_cstart, $3  }
0xc0: {  	[dreg:$0x1] =	wrdreg $0xFFFFFFFF  }
0xc1: {  	_ =	task.clear_ibuf [dreg:s6], $0x2FFFF;
	_ =	strace $0x9FFFFFFF  }
0xc2: {  	(tm) =	ssettm $0x7FFFFFFF  }
0xc3: {  	_ =	shalt  }
tec
execute0_lowered:
.L_overlay_start_1:
0x0: {  	(tag) =	ssettag $0x1  }
0x1: {  	s0 =	srdreg.scid;
	s1 =	rddreg [dreg:$0x0]  }
0x2: {  	s14 =	stileid.u32;
	s2 =	rddreg [dreg:$0x1];
	s4 =	simm.s32 $0x0  }
0x3: {  	s16 =	simm.s32 $0x5;
	s17 =	simm.s32 $0x80;
	s18 =	simm.s32 $0x5000  }
0x4: {  	s19 =	simm.s32 $0x7000;
	s21 =	simm.s32 $0x9000;
	s23 =	simm.s32 $0xB000  }
0x5: {  	s24 =	simm.s32 $0x1;
	s25 =	simm.s32 $0x2;
	s28 =	simm.s32 $0x4  }
0x6: {  	s29 =	simm.s32 $0x4E00;
	s30 =	simm.s32 $0x4E80;
	s31 =	simm.s32 $0x4F00  }
0x7: {  	s0 =	sand.u32 $0x1, s0;
	[smem:$0x7FF] =	sst s4;
	s12 =	smul.u32 $0x9E00, s14  }
0x8: {  	s4 =	sadd.s32 $0x18800, s1;
	s6 =	sadd.s32 $0x18400, s1;
	s11 =	sadd.s32 $0x16500, s1  }
0x9: {  	s3 =	sshll.u32 s0, $0x4;
	s7 =	smul.u32 $0x9E000, s0;
	s0 =	ssub.s32 $0x2, s0  }
0xa: {  	_ =	strace $0x8000004D;
	s3 =	sor.u32 s14, s3;
	s10 =	sshrl.u32 s0, $0x1  }
0xb: {  	s26 =	sadd.s32 s12, s2;
	s14 =	sshll.u32 s14, $0x6;
	s5 =	smul.u32 $0x500, s3  }
0xc: {  	s8 =	sadd.s32 s12, s7;
	s7 =	sadd.s32 $0x16800, s1;
	s0 =	ssub.s32 s0, s10  }
0xd: {  	s10 =	sadd.s32 $0xC700, s1;
	p0 =	seq.s32 s3, $0x1F;
	s14 =	sor.u32 $0x1C05, s14  }
0xe: {  	s15 =	sshrl.u32 s26, $0x3;
	s26 =	simm.s32 $0x3;
	s8 =	sshrl.u32 s8, $0x3  }
0xf: {  	s9 =	sadd.s32 s5, s1;
	s5 =	sadd.s32 $0x2C200, s1;
	s13 =	sadd.s32 s8, s1  }
0x10: {  	s1 =	simm.s32 $0x4F80;
	s8 =	sadd.s32 $0x2C00, s9;
	s9 =	sadd.s32 $0xCA00, s9  }
0x11: {  	s12 =	sadd.s32 $0x2C600, s13;
	s13 =	smax.u32 s0, $0x1;
	s0 =	simm.s32 $0x0  }
.LBB2_1:
0x12: {  	s3 =	simm.s32 @p0 $0x0;
	s20 =	simm.s32 @p0 $0x5  }
0x13: {  	[tilespmem:s3], [sflag:$0x5] =	stream.linear.gather @p0 [hbm4b:s10+s3], $0xA00, $0x38;
	[tilespmem:$0x16E00] =	vst v63  }
0x14: {  	_ =	swait.ge @p0 [sflag:s20], $0xA00  }
0x15: {  	[sflag:s20] =	ssyncset.done @p0 $0x0  }
0x16: {  	s22 =	simm.s32 @p0 $0xA00;
	[sflag:s20] =	ssyncadd.s32 @p0 $0xFFFFF600  }
0x17: {  	[tilespmem:s22], [sflag:$0x5] =	stream.linear.gather @p0 [hbm4b:s5+s3], $0x1E00, $0x38;
	[tilespmem:$0x16E00] =	vst v63  }
0x18: {  	_ =	swait.ge @p0 [sflag:s20], $0x1E00  }
0x19: {  	[sflag:s20] =	ssyncset.done @p0 $0x0  }
0x1a: {  	s22 =	simm.s32 @p0 $0x2800;
	[sflag:s20] =	ssyncadd.s32 @p0 $0xFFFFE200  }
0x1b: {  	[tilespmem:s22], [sflag:$0x5] =	stream.linear.gather @p0 [hbm4b:s11+s3], $0xA00, $0x38;
	[tilespmem:$0x16E00] =	vst v63  }
0x1c: {  	_ =	swait.ge @p0 [sflag:s20], $0xA00  }
0x1d: {  	[sflag:s20] =	ssyncset.done @p0 $0x0  }
0x1e: {  	s22 =	simm.s32 @p0 $0x3200;
	[sflag:s20] =	ssyncadd.s32 @p0 $0xFFFFF600  }
0x1f: {  	[tilespmem:s22], [sflag:$0x5] =	stream.linear.gather @p0 [hbm4b:s6+s3], $0x1E00, $0x38;
	[tilespmem:$0x16E00] =	vst v63  }
0x20: {  	_ =	swait.ge @p0 [sflag:s20], $0x1E00  }
0x21: {  	[sflag:s20] =	ssyncset.done @p0 $0x0  }
0x22: {  	s3 =	simm.s32 @!p0 $0x0;
	[sflag:s20] =	ssyncadd.s32 @p0 $0xFFFFE200;
	s20 =	simm.s32 @!p0 $0x5  }
0x23: {  	[tilespmem:s3], [sflag:$0x5] =	stream.linear.gather @!p0 [hbm4b:s8+s3], $0x2800, $0x38;
	[tilespmem:$0x16E00] =	vst v63  }
0x24: {  	_ =	swait.ge @!p0 [sflag:s20], $0x2800  }
0x25: {  	[sflag:s20] =	ssyncset.done @!p0 $0x0  }
0x26: {  	s22 =	simm.s32 @!p0 $0x2800;
	[sflag:s20] =	ssyncadd.s32 @!p0 $0xFFFFD800  }
0x27: {  	[tilespmem:s22], [sflag:$0x5] =	stream.linear.gather @!p0 [hbm4b:s9+s3], $0x2800, $0x38;
	[tilespmem:$0x16E00] =	vst v63  }
0x28: {  	_ =	swait.ge @!p0 [sflag:s20], $0x2800  }
0x29: {  	[sflag:s20] =	ssyncset.done @!p0 $0x0  }
0x2a: {  	[sflag:s20] =	ssyncadd.s32 @!p0 $0xFFFFD800  }
0x2b: {  	[spmem:s15], [sflag:s14] =	dma.local [hbm:s7], $0x13C0  }
0x2c: {  	_ =	swait.ge [sflag:s16], $0x13C0  }
0x2d: {  	[sflag:s16] =	ssyncset.done $0x0  }
0x2e: {  	[sflag:s16] =	ssyncadd.s32 $0xFFFFEC40  }
0x2f: {  	s20 =	simm.s32 $0x0;
	[bflag:$0x0] =	sbarrier.arrive $0xFFFF  }
0x30: {  	[tilespmem:s18], [sflag:$0x1] =	stream.indirect.gather [hbm4b:s4+s17], $0x40, s20, s17, $0xb8;
	[tilespmem:$0x16E00] =	vst v63  }
0x31: {  	_ = 	snop  }
0x32: {  	[tilespmem:s19], [sflag:$0x2] =	stream.indirect.gather [hbm4b:s4+s17], $0x40, s17, s17, $0xb8;
	[tilespmem:$0x16E00] =	vst v63  }
0x33: {  	s22 =	simm.s32 $0x100  }
0x34: {  	[tilespmem:s21], [sflag:$0x3] =	stream.indirect.gather [hbm4b:s4+s17], $0x40, s22, s17, $0xb8;
	[tilespmem:$0x16E00] =	vst v63  }
0x35: {  	s20 =	simm.s32 $0x180  }
0x36: {  	[tilespmem:s23], [sflag:$0x4] =	stream.indirect.gather [hbm4b:s4+s17], $0x40, s20, s17, $0xb8;
	[tilespmem:$0x16E00] =	vst v63  }
0x37: {  	_ =	swait.ge [sflag:s24], $0x2000  }
0x38: {  	[sflag:s24] =	ssyncset.done $0x0  }
0x39: {  	s22 =	simm.s32 $0x2800;
	[sflag:s24] =	ssyncadd.s32 $0xFFFFE000  }
0x3a: {  	[spmem:s2] =	stream.indirect.scatter.add.f32 [tilespmem:s18], [sflag:$0x5], $0x40, s22, s17, $0xb8;
	[tilespmem:$0x16E00] =	vst v63  }
0x3b: {  	_ =	swait.ge [sflag:s16], $0x2000  }
0x3c: {  	[sflag:s16] =	ssyncset.done $0x0  }
0x3d: {  	s20 =	simm.s32 $0x200;
	[sflag:s16] =	ssyncadd.s32 $0xFFFFE000  }
0x3e: {  	[tilespmem:s18], [sflag:$0x1] =	stream.indirect.gather [hbm4b:s4+s17], $0x40, s20, s17, $0xb8;
	[tilespmem:$0x16E00] =	vst v63  }
0x3f: {  	_ =	swait.ge [sflag:s25], $0x2000  }
0x40: {  	[sflag:s25] =	ssyncset.done $0x0  }
0x41: {  	s22 =	simm.s32 $0x2880;
	[sflag:s25] =	ssyncadd.s32 $0xFFFFE000  }
0x42: {  	[spmem:s2] =	stream.indirect.scatter.add.f32 [tilespmem:s19], [sflag:$0x5], $0x40, s22, s17, $0xb8;
	[tilespmem:$0x16E00] =	vst v63  }
0x43: {  	_ =	swait.ge [sflag:s16], $0x2000  }
0x44: {  	[sflag:s16] =	ssyncset.done $0x0  }
0x45: {  	s20 =	simm.s32 $0x280;
	[sflag:s16] =	ssyncadd.s32 $0xFFFFE000  }
0x46: {  	[tilespmem:s19], [sflag:$0x2] =	stream.indirect.gather [hbm4b:s4+s17], $0x40, s20, s17, $0xb8;
	[tilespmem:$0x16E00] =	vst v63  }
0x47: {  	_ =	swait.ge [sflag:s26], $0x2000  }
0x48: {  	[sflag:s26] =	ssyncset.done $0x0  }
0x49: {  	s22 =	simm.s32 $0x2900;
	[sflag:s26] =	ssyncadd.s32 $0xFFFFE000  }
0x4a: {  	[spmem:s2] =	stream.indirect.scatter.add.f32 [tilespmem:s21], [sflag:$0x5], $0x40, s22, s17, $0xb8;
	[tilespmem:$0x16E00] =	vst v63  }
0x4b: {  	_ =	swait.ge [sflag:s16], $0x2000  }
0x4c: {  	[sflag:s16] =	ssyncset.done $0x0  }
0x4d: {  	s20 =	simm.s32 $0x300;
	[sflag:s16] =	ssyncadd.s32 $0xFFFFE000  }
0x4e: {  	[tilespmem:s21], [sflag:$0x3] =	stream.indirect.gather [hbm4b:s4+s17], $0x40, s20, s17, $0xb8;
	[tilespmem:$0x16E00] =	vst v63  }
0x4f: {  	_ =	swait.ge [sflag:s28], $0x2000  }
0x50: {  	[sflag:s28] =	ssyncset.done $0x0  }
0x51: {  	s22 =	simm.s32 $0x2980;
	[sflag:s28] =	ssyncadd.s32 $0xFFFFE000  }
0x52: {  	[spmem:s2] =	stream.indirect.scatter.add.f32 [tilespmem:s23], [sflag:$0x5], $0x40, s22, s17, $0xb8;
	[tilespmem:$0x16E00] =	vst v63  }
0x53: {  	_ =	swait.ge [sflag:s16], $0x2000  }
0x54: {  	[sflag:s16] =	ssyncset.done $0x0  }
0x55: {  	s3 =	simm.s32 $0x800;
	s20 =	simm.s32 $0x380;
	[sflag:s16] =	ssyncadd.s32 $0xFFFFE000  }
.LBB2_2:
0x56: {  	[tilespmem:s23], [sflag:$0x4] =	stream.indirect.gather [hbm4b:s4+s17], $0x40, s20, s17, $0xb8;
	[tilespmem:$0x16E00] =	vst v63  }
0x57: {  	s20 =	smov.u32 s3  }
0x58: {  	p1 =	sne.s32 s3, $0x9000;
	s3 =	sadd.s32 $0x800, s3;
	_ =	swait.ge [sflag:s24], $0x2000  }
0x59: {  	s20 =	sshra.s32 s20, $0x2;
	[sflag:s24] =	ssyncset.done $0x0  }
0x5a: {  	s22 =	sadd.s32 $0x2800, s20;
	[sflag:s24] =	ssyncadd.s32 $0xFFFFE000  }
0x5b: {  	[spmem:s2] =	stream.indirect.scatter.add.f32 [tilespmem:s18], [sflag:$0x5], $0x40, s22, s17, $0xb8;
	[tilespmem:$0x16E00] =	vst v63  }
0x5c: {  	_ =	swait.ge [sflag:s16], $0x2000  }
0x5d: {  	[sflag:s16] =	ssyncset.done $0x0  }
0x5e: {  	s22 =	sadd.s32 $0x200, s20;
	[sflag:s16] =	ssyncadd.s32 $0xFFFFE000  }
0x5f: {  	[tilespmem:s18], [sflag:$0x1] =	stream.indirect.gather [hbm4b:s4+s17], $0x40, s22, s17, $0xb8;
	[tilespmem:$0x16E00] =	vst v63  }
0x60: {  	_ =	swait.ge [sflag:s25], $0x2000  }
0x61: {  	[sflag:s25] =	ssyncset.done $0x0  }
0x62: {  	s22 =	sadd.s32 $0x2880, s20;
	[sflag:s25] =	ssyncadd.s32 $0xFFFFE000  }
0x63: {  	[spmem:s2] =	stream.indirect.scatter.add.f32 [tilespmem:s19], [sflag:$0x5], $0x40, s22, s17, $0xb8;
	[tilespmem:$0x16E00] =	vst v63  }
0x64: {  	_ =	swait.ge [sflag:s16], $0x2000  }
0x65: {  	[sflag:s16] =	ssyncset.done $0x0  }
0x66: {  	s22 =	sadd.s32 $0x280, s20;
	[sflag:s16] =	ssyncadd.s32 $0xFFFFE000  }
0x67: {  	[tilespmem:s19], [sflag:$0x2] =	stream.indirect.gather [hbm4b:s4+s17], $0x40, s22, s17, $0xb8;
	[tilespmem:$0x16E00] =	vst v63  }
0x68: {  	_ =	swait.ge [sflag:s26], $0x2000  }
0x69: {  	[sflag:s26] =	ssyncset.done $0x0  }
0x6a: {  	s22 =	sadd.s32 $0x2900, s20;
	[sflag:s26] =	ssyncadd.s32 $0xFFFFE000  }
0x6b: {  	[spmem:s2] =	stream.indirect.scatter.add.f32 [tilespmem:s21], [sflag:$0x5], $0x40, s22, s17, $0xb8;
	[tilespmem:$0x16E00] =	vst v63  }
0x6c: {  	_ =	swait.ge [sflag:s16], $0x2000  }
0x6d: {  	[sflag:s16] =	ssyncset.done $0x0  }
0x6e: {  	s22 =	sadd.s32 $0x300, s20;
	[sflag:s16] =	ssyncadd.s32 $0xFFFFE000  }
0x6f: {  	[tilespmem:s21], [sflag:$0x3] =	stream.indirect.gather [hbm4b:s4+s17], $0x40, s22, s17, $0xb8;
	[tilespmem:$0x16E00] =	vst v63  }
0x70: {  	_ =	swait.ge [sflag:s28], $0x2000  }
0x71: {  	[sflag:s28] =	ssyncset.done $0x0  }
.Ltmp0:
0x72: {  	s22 =	sadd.s32 $0x2980, s20;
	[sflag:s28] =	ssyncadd.s32 $0xFFFFE000;
	(pc) =	sbr.rel @p1 .LBB2_2-.Ltmp0, $4  }
0x73: {  	[spmem:s2] =	stream.indirect.scatter.add.f32 [tilespmem:s23], [sflag:$0x5], $0x40, s22, s17, $0xb8;
	[tilespmem:$0x16E00] =	vst v63  }
0x74: {  	_ =	swait.ge [sflag:s16], $0x2000  }
0x75: {  	[sflag:s16] =	ssyncset.done $0x0  }
0x76: {  	s20 =	sadd.s32 $0x380, s20;
	[sflag:s16] =	ssyncadd.s32 $0xFFFFE000  }
0x77: {  	[tilespmem:s23], [sflag:$0x4] =	stream.indirect.gather [hbm4b:s4+s17], $0x40, s20, s17, $0xb8;
	[tilespmem:$0x16E00] =	vst v63  }
0x78: {  	_ =	swait.ge [sflag:s24], $0x2000  }
0x79: {  	[sflag:s24] =	ssyncset.done $0x0  }
0x7a: {  	[sflag:s24] =	ssyncadd.s32 $0xFFFFE000  }
0x7b: {  	[spmem:s2] =	stream.indirect.scatter.add.f32 [tilespmem:s18], [sflag:$0x5], $0x40, s29, s17, $0xb8;
	[tilespmem:$0x16E00] =	vst v63  }
0x7c: {  	_ =	swait.ge [sflag:s16], $0x2000  }
0x7d: {  	[sflag:s16] =	ssyncset.done $0x0  }
0x7e: {  	[sflag:s16] =	ssyncadd.s32 $0xFFFFE000  }
0x7f: {  	_ =	swait.ge [sflag:s25], $0x2000  }
0x80: {  	[sflag:s25] =	ssyncset.done $0x0  }
0x81: {  	[sflag:s25] =	ssyncadd.s32 $0xFFFFE000  }
0x82: {  	[spmem:s2] =	stream.indirect.scatter.add.f32 [tilespmem:s19], [sflag:$0x5], $0x40, s30, s17, $0xb8;
	[tilespmem:$0x16E00] =	vst v63  }
0x83: {  	_ =	swait.ge [sflag:s16], $0x2000  }
0x84: {  	[sflag:s16] =	ssyncset.done $0x0  }
0x85: {  	[sflag:s16] =	ssyncadd.s32 $0xFFFFE000  }
0x86: {  	_ =	swait.ge [sflag:s26], $0x2000  }
0x87: {  	[sflag:s26] =	ssyncset.done $0x0  }
0x88: {  	[sflag:s26] =	ssyncadd.s32 $0xFFFFE000  }
0x89: {  	[spmem:s2] =	stream.indirect.scatter.add.f32 [tilespmem:s21], [sflag:$0x5], $0x40, s31, s17, $0xb8;
	[tilespmem:$0x16E00] =	vst v63  }
0x8a: {  	_ =	swait.ge [sflag:s16], $0x2000  }
0x8b: {  	[sflag:s16] =	ssyncset.done $0x0  }
0x8c: {  	[sflag:s16] =	ssyncadd.s32 $0xFFFFE000  }
0x8d: {  	_ =	swait.ge [sflag:s28], $0x2000  }
0x8e: {  	[sflag:s28] =	ssyncset.done $0x0  }
0x8f: {  	[sflag:s28] =	ssyncadd.s32 $0xFFFFE000  }
0x90: {  	[spmem:s2] =	stream.indirect.scatter.add.f32 [tilespmem:s23], [sflag:$0x5], $0x40, s1, s17, $0xb8;
	[tilespmem:$0x16E00] =	vst v63  }
0x91: {  	_ =	swait.ge [sflag:s16], $0x2000  }
0x92: {  	s0 =	sadd.s32 $0x1, s0;
	[sflag:s16] =	ssyncset.done $0x0  }
0x93: {  	p1 =	sne.s32 s0, s13;
	[sflag:s16] =	ssyncadd.s32 $0xFFFFE000  }
.Ltmp1:
0x94: {  	[bflag:$0x0] =	sbarrier.arrive $0xFFFF;
	(pc) =	sbr.rel @p1 .LBB2_1-.Ltmp1, $4  }
0x95: {  	[hbm:s12], [sflag:s14] =	dma.local [spmem:s15], $0x13C0  }
0x96: {  	_ =	swait.ge [sflag:s16], $0x13C0  }
0x97: {  	[sflag:s16] =	ssyncset.done $0x0  }
0x98: {  	[sflag:s16] =	ssyncadd.s32 $0xFFFFEC40  }
0x99: {  	_ =	sfence.sel $0x180000  }
0x9a: {  	[bflag:$0x0] =	sbarrier.arrive $0xFFFF  }
0x9b: {  	_ =	strace $0x9000004D  }
0x9c: {  	s0 =	stileid.u32;
	[bflag:$0x2] =	sbarrier.arrive $0xFFFF  }
0x9d: {  	p0 =	sne.s32 s0, $0x0;
	s0 =	rddreg [dreg:$0x2]  }
0x9e: {  	s0 =	sadd.s32 @!p0 $0x100000, s0  }
0x9f: {  	[sflag:s0] =	ssyncadd.tile.s32 @!p0 $0x1;
	_ =	shalt  }
.Lfunc_end2:
_tile_overlayer_lowered:
.L_overlay_start_2:
0xa0: {  	(tag) =	ssettag $0x2  }
0xa1: {  	s0 =	rddreg [dreg:$0x0];
	s2 =	stileid.u32  }
0xa2: {  	s1 =	rddreg [dreg:$0x1];
	p0 =	sne.s32 s2, $0x0  }
0xa3: {  	s3 =	rddreg [dreg:$0x2];
	[bflag:$0x3] =	sbarrier.arrive $0xFFFF;
	s2 =	simm.s32 @!p0 $0x1C05  }
0xa4: {  	[timem:s3], [sflag:s2] =	dma.local @!p0 [hbm:s0], s1  }
0xa5: {  	s0 =	simm.s32 @!p0 $0x5  }
0xa6: {  	_ =	swait.ge @!p0 [sflag:s0], s1  }
0xa7: {  	s1 =	ssub.s32 @!p0 $0x0, s1;
	[sflag:s0] =	ssyncset.done @!p0 $0x0  }
0xa8: {  	[sflag:s0] =	ssyncadd.s32 @!p0 s1  }
0xa9: {  	[bflag:$0x3] =	sbarrier.arrive $0xFFFF  }
0xaa: {  	_ =	shalt  }

// kernel: kernel.9.cloned.1.call-start
scs
__scs_entry_jumppad:
0x0: {  	(pc) =	sbr.rel $0x88, $3  }
0x1: {  	(tag) =	ssettag $0x0;
	lr =	simm.s32 $0x1  }
0x2: {  	[smem:$0x3F98] =	sst lr;
	_ =	strace $0xD0000000  }
0x3: {  	_ = 	snop  }
0x4: {  	_ = 	snop  }
0x5: {  	_ = 	snop  }
0x6: {  	_ = 	snop  }
0x7: {  	_ = 	snop  }
__scs_overlays_trampoline_lowered:
0x8: {  	[smem:$0x3FA7] =	sst s0  }
0x9: {  	[smem:$0x3FA8] =	sst s1  }
0xa: {  	[smem:$0x3FA9] =	sst s2  }
0xb: {  	[smem:$0x3FAA] =	sst s3  }
0xc: {  	[smem:$0x3FAB] =	sst s4  }
0xd: {  	[smem:$0x3FAC] =	sst s5  }
0xe: {  	[smem:$0x3FAD] =	sst s6  }
0xf: {  	[smem:$0x3FAE] =	sst s7  }
0x10: {  	[smem:$0x3FAF] =	sst s8  }
0x11: {  	[smem:$0x3FB0] =	sst s9;
	s0 =	simm.s32 @!p0 $0x0  }
0x12: {  	s1 =	sld [smem:$0x3F96];
	s0 =	simm.s32 @p0 $0x1  }
0x13: {  	[smem:$0x3FB1] =	sst s0;
	s0 =	simm.s32 @!p1 $0x0  }
0x14: {  	s2 =	sld [smem:$0x3F95];
	s0 =	simm.s32 @p1 $0x1  }
0x15: {  	[smem:$0x3FB2] =	sst s0;
	s0 =	simm.s32 @!p2 $0x0  }
0x16: {  	s3 =	sld [smem:$0x3FDB];
	s0 =	simm.s32 @p2 $0x1  }
0x17: {  	s4 =	simm.s32 $0x1BF5;
	[smem:$0x3FB4] =	sst s0  }
0x18: {  	s0 =	sld [smem:$0x3F97];
	_ =	swait.ge [sflag:s4], $0x0  }
0x19: {  	s7 =	sld [smem:$0x3F98]  }
0x1a: {  	s8 =	sadd.s32 $0xFFFFE003, lr  }
0x1b: {  	s9 =	sadd.s32 $0xFFFFFEF7, lr;
	s5 =	simm.s32 $0xFFFFFFFF;
	p2 =	slt.u32 s8, $0xFFFFF086  }
0x1c: {  	p1 =	slt.u32 s9, $0xF7A;
	s5 =	simm.s32 @!p2 $0x0  }
0x1d: {  	s5 =	simm.s32 @p1 $0x1;
	p0 =	seq.s32 s7, s2  }
0x1e: {  	s7 =	smul.u32 @!p0 $0xF7A, s2;
	p2 =	seq.s32 @!p0 s5, $0x0  }
0x1f: {  	s9 =	smul.u32 $0xF7A, s1;
	s8 =	simm.s32 @!p0 $0x1BF5;
	p2 =	por !p2, p0  }
0x20: {  	[sflag:s8] =	ssyncset.s32 @!p0 $0xFFFFF086;
	s6 =	sadd.s32 @!p0 s3, s7;
	s7 =	simm.s32 @!p0 $0x108  }
0x21: {  	s3 =	sadd.s32 s3, s9;
	s6 =	sadd.s32 @!p0 $0x88, s6;
	s7 =	simm.s32 @p2 $0x1082  }
0x22: {  	[simem:s7], [sflag:s8] =	dma.local @!p0 [hbm:s6], $0xF7A  }
0x23: {  	s9 =	sor.u32 $0xD0000000, s2;
	s6 =	simm.s32 $0x108;
	_ =	swait.ge @!p0 [sflag:s8], $0x0  }
0x24: {  	s3 =	sadd.s32 $0x88, s3;
	s6 =	simm.s32 @!p1 $0x1082;
	[sflag:s4] =	ssyncset.s32 $0xFFFFF086  }
0x25: {  	[simem:s6], [sflag:s4] =	dma.local [hbm:s3], $0xF7A  }
0x26: {  	[smem:$0x3F98] =	sst s1;
	(tag) =	ssettag s2;
	_ =	strace s9  }
0x27: {  	s1 =	sld [smem:$0x3FA8]  }
0x28: {  	s2 =	sld [smem:$0x3FA9]  }
0x29: {  	s4 =	sld [smem:$0x3FAB]  }
0x2a: {  	p0 =	seq.s32 s5, $0x0;
	s5 =	sld [smem:$0x3FAC]  }
0x2b: {  	s6 =	sld [smem:$0x3FAD]  }
0x2c: {  	s7 =	sld [smem:$0x3FAE]  }
0x2d: {  	s3 =	simm.s32 $0x108;
	s8 =	sld [smem:$0x3FAF]  }
0x2e: {  	s3 =	simm.s32 @!p0 $0x1082;
	s9 =	sld [smem:$0x3FB0]  }
0x2f: {  	lr =	sadd.s32 s0, s3;
	s0 =	sld [smem:$0x3FA7]  }
0x30: {  	s3 =	sld [smem:$0x3FAA]  }
0x31: {  	[smem:$0x3FB3] =	sst s10  }
0x32: {  	s10 =	sld [smem:$0x3FB1];
	_ =	sdelay $0x3  }
0x33: {  	p0 =	seq.s32 s10, $0x1;
	s10 =	sld [smem:$0x3FB3];
	_ =	sdelay $0x3  }
0x34: {  	[smem:$0x3FB3] =	sst s10  }
0x35: {  	s10 =	sld [smem:$0x3FB2];
	_ =	sdelay $0x3  }
0x36: {  	p1 =	seq.s32 s10, $0x1;
	s10 =	sld [smem:$0x3FB3];
	_ =	sdelay $0x3  }
0x37: {  	[smem:$0x3FB3] =	sst s10  }
0x38: {  	s10 =	sld [smem:$0x3FB4]  }
0x39: {  	_ = 	snop;
	(pc) =	sbr.ind lr, $3  }
0x3a: {  	_ = 	snop  }
0x3b: {  	_ = 	snop  }
0x3c: {  	p2 =	seq.s32 s10, $0x1;
	s10 =	sld [smem:$0x3FB3]  }
0x3d: {  	_ =	shalt  }
0x3e: {  	_ =	shalt  }
0x3f: {  	_ =	shalt  }
0x40: {  	_ =	shalt  }
0x41: {  	_ =	shalt  }
0x42: {  	_ =	shalt  }
0x43: {  	_ =	shalt  }
0x44: {  	_ =	shalt  }
0x45: {  	_ =	shalt  }
0x46: {  	_ =	shalt  }
0x47: {  	_ =	shalt  }
0x48: {  	_ =	shalt  }
0x49: {  	_ =	shalt  }
0x4a: {  	_ =	shalt  }
0x4b: {  	_ =	shalt  }
0x4c: {  	_ =	shalt  }
0x4d: {  	_ =	shalt  }
0x4e: {  	_ =	shalt  }
0x4f: {  	_ =	shalt  }
0x50: {  	_ =	shalt  }
0x51: {  	_ =	shalt  }
0x52: {  	_ =	shalt  }
0x53: {  	_ =	shalt  }
0x54: {  	_ =	shalt  }
0x55: {  	_ =	shalt  }
0x56: {  	_ =	shalt  }
0x57: {  	_ =	shalt  }
0x58: {  	_ =	shalt  }
0x59: {  	_ =	shalt  }
0x5a: {  	_ =	shalt  }
0x5b: {  	_ =	shalt  }
0x5c: {  	_ =	shalt  }
0x5d: {  	_ =	shalt  }
0x5e: {  	_ =	shalt  }
0x5f: {  	_ =	shalt  }
0x60: {  	_ =	shalt  }
0x61: {  	_ =	shalt  }
0x62: {  	_ =	shalt  }
0x63: {  	_ =	shalt  }
0x64: {  	_ =	shalt  }
0x65: {  	_ =	shalt  }
0x66: {  	_ =	shalt  }
0x67: {  	_ =	shalt  }
0x68: {  	_ =	shalt  }
0x69: {  	_ =	shalt  }
0x6a: {  	_ =	shalt  }
0x6b: {  	_ =	shalt  }
0x6c: {  	_ =	shalt  }
0x6d: {  	_ =	shalt  }
0x6e: {  	_ =	shalt  }
0x6f: {  	_ =	shalt  }
0x70: {  	_ =	shalt  }
0x71: {  	_ =	shalt  }
0x72: {  	_ =	shalt  }
0x73: {  	_ =	shalt  }
0x74: {  	_ =	shalt  }
0x75: {  	_ =	shalt  }
0x76: {  	_ =	shalt  }
0x77: {  	_ =	shalt  }
0x78: {  	_ =	shalt  }
0x79: {  	_ =	shalt  }
0x7a: {  	_ =	shalt  }
0x7b: {  	_ =	shalt  }
0x7c: {  	_ =	shalt  }
0x7d: {  	_ =	shalt  }
0x7e: {  	_ =	shalt  }
0x7f: {  	_ =	shalt  }
0x80: {  	_ =	shalt  }
0x81: {  	_ =	shalt  }
0x82: {  	_ =	shalt  }
0x83: {  	_ =	shalt  }
0x84: {  	_ =	shalt  }
0x85: {  	_ =	shalt  }
0x86: {  	_ =	shalt  }
0x87: {  	_ =	shalt  }
.Lfunc_end0:
.L_simem_size_0:
called_computation_lowered:
.L_overlay_start_0:
0x88: {  	s2 =	sld [smem:$0x3FD9]  }
0x89: {  	s3 =	sld [smem:$0x3FFE];
	_ =	sdelay $0x1  }
0x8a: {  	s1 =	srdreg.scid  }
0x8b: {  	s0 =	sand.u32 $0x1, s1  }
0x8c: {  	s16 =	sshll.u32 s0, $0xA;
	s2 =	sadd.s32 s3, s2  }
0x8d: {  	s2 =	sadd.s32 s2, s16  }
0x8e: {  	[smem:$0x3FBF] =	sst s2  }
0x8f: {  	_ = 	snop  }
0x90: {  	(tm) =	ssettm $0x1  }
0x91: {  	s17 =	sld [smem:$0x3FFB];
	_ =	sdelay $0x3  }
0x92: {  	_ =	strace s17  }
0x93: {  	s2 =	sld [smem:$0x3FFC];
	_ =	sdelay $0x3  }
0x94: {  	_ =	strace s2  }
0x95: {  	s2 =	sld [smem:$0x3FFD];
	_ =	sdelay $0x3  }
0x96: {  	_ =	strace s2  }
0x97: {  	_ =	strace $0x8FFFFFFF  }
0x98: {  	s18 =	sld [smem:$0x3FDB];
	_ =	sdelay $0x1  }
0x99: {  	s19 =	simm.s32 $_scs_section_size  }
0x9a: {  	s4 =	simm.s32 $_size__tile_overlayer_lowered;
	s5 =	simm.s32 $_tile_overlayer_lowered  }
0x9b: {  	s22 =	simm.s32 $0x1BFF;
	s21 =	sshll.u32 s5, $0x1;
	s2 =	sadd.s32 s19, s18  }
0x9c: {  	s6 =	simm.s32 $0x0;
	s20 =	sshll.u32 s4, $0x1;
	s4 =	sadd.s32 s21, s2  }
0x9d: {  	[timem:s6], [sflag:s22] =	dma.local [hbm:s4], s20  }
0x9e: {  	_ =	swait.ge [sflag:s22], s20  }
0x9f: {  	s3 =	ssub.s32 $0x0, s20;
	[sflag:s22] =	ssyncset.done $0x0  }
0xa0: {  	[sflag:s22] =	ssyncadd.s32 s3;
	_ =	sdelay $0x1  }
0xa1: {  	s23 =	simm.s32 $0x1B8B  }
0xa2: {  	_ =	swait.ge [sflag:s23], $0x1  }
0xa3: {  	[sflag:s23] =	ssyncset.done $0x0  }
0xa4: {  	s25 =	simm.s32 $0x1B8E;
	s24 =	sld [smem:$0x3FFE];
	[sflag:s23] =	ssyncadd.s32 $0xFFFFFFFF  }
0xa5: {  	s26 =	simm.s32 $execute0_lowered;
	[smem:$0x3FD2] =	sst s25  }
0xa6: {  	s4 =	sshll.u32 s26, $0x1;
	_ =	strace $0x80000046;
	[dreg:$0x1] =	wrdreg $0xFFFFFFFF  }
0xa7: {  	s28 =	simm.s32 $_size_execute0_lowered;
	s2 =	sadd.s32 s2, s4;
	[dreg:$0x0] =	wrdreg $0x0  }
0xa8: {  	s4 =	sshll.u32 s28, $0x1;
	[dreg:$0x2] =	wrdreg s2  }
0xa9: {  	[dreg:$0x3] =	wrdreg s4  }
0xaa: {  	[dreg:$0x4] =	wrdreg $0xC0  }
0xab: {  	_ =	task [dreg:s6], $0x5FFFF  }
0xac: {  	[dreg:$0x1] =	wrdreg $0xFFFFFFFF  }
0xad: {  	[dreg:$0x0] =	wrdreg $0x60  }
0xae: {  	[dreg:$0x2] =	wrdreg s24  }
0xaf: {  	[dreg:$0x3] =	wrdreg $0x48000  }
0xb0: {  	[dreg:$0x4] =	wrdreg $0x9  }
0xb1: {  	_ =	task.clear_ibuf [dreg:s6], $0x5FFFF;
	_ =	strace $0x90000046  }
0xb2: {  	s29 =	simm.s32 $0x9;
	_ =	strace $0x80000048  }
0xb3: {  	_ =	swait.ge [sflag:s29], $0x1  }
0xb4: {  	[sflag:s29] =	ssyncadd.s32 $0xFFFFFFFF  }
0xb5: {  	_ =	strace $0x90000048  }
0xb6: {  	_ =	sfence  }
0xb7: {  	s30 =	sld [smem:$0x0];
	_ =	sdelay $0x2  }
0xb8: {  	s31 =	sshll.u32 s1, $0xD;
	s1 =	sshrl.u32 s1, $0x2  }
0xb9: {  	s3 =	sand.u32 $0x4000, s31;
	s1 =	sadd.s32 s1, s30  }
0xba: {  	s0 =	sor.u32 s3, s0;
	s1 =	sshll.u32 s1, $0x11  }
0xbb: {  	s0 =	sor.u32 s1, s0  }
0xbc: {  	s0 =	sadd.s32 $0x8F2B, s0  }
0xbd: {  	[sflag:s0] =	ssyncadd.remote.s32 $0x1  }
0xbe: {  	_ =	sfence.sel $0xFFFF  }
0xbf: {  	[dreg:$0x0] =	wrdreg $0xFFFFFFFF;
	(pc) =	sbr.abs _section_cstart, $3  }
0xc0: {  	[dreg:$0x1] =	wrdreg $0xFFFFFFFF  }
0xc1: {  	_ =	task.clear_ibuf [dreg:s6], $0x2FFFF;
	_ =	strace $0x9FFFFFFF  }
0xc2: {  	(tm) =	ssettm $0x7FFFFFFF  }
0xc3: {  	_ =	shalt  }
tec
execute0_lowered:
.L_overlay_start_1:
0x0: {  	(tag) =	ssettag $0x1  }
0x1: {  	s8 =	rddreg [dreg:$0x0]  }
0x2: {  	s0 =	srdreg.scid;
	s2 =	rddreg [dreg:$0x1];
	s3 =	simm.s32 $0x0  }
0x3: {  	s16 =	simm.s32 $0x0;
	s6 =	sand.u32 $0x1, s0;
	s0 =	stileid.u32  }
0x4: {  	[smem:$0x7FF] =	sst s3;
	s5 =	sadd.s32 $0x18800, s8;
	s9 =	smul.u32 $0x9E00, s0  }
0x5: {  	s1 =	sshll.u32 s6, $0x4;
	s7 =	smul.u32 $0x9E000, s6;
	s12 =	ssub.s32 $0x2, s6  }
0x6: {  	s6 =	sadd.s32 $0x16800, s8;
	s31 =	sshll.u32 s0, $0x6;
	s11 =	sor.u32 s0, s1  }
0x7: {  	s1 =	rddreg [dreg:$0x2];
	_ =	strace $0x80000047;
	s13 =	sshrl.u32 s12, $0x1  }
0x8: {  	s4 =	smul.u32 $0x500, s11;
	s7 =	sadd.s32 s9, s7;
	s12 =	ssub.s32 s12, s13  }
0x9: {  	s15 =	sadd.s32 s9, s2;
	p0 =	seq.s32 s11, $0x1F;
	s11 =	simm.s32 $0x2800  }
0xa: {  	s13 =	sor.u32 $0x1C01, s31;
	s7 =	sshrl.u32 s7, $0x3;
	s10 =	sadd.s32 s4, s8  }
0xb: {  	s4 =	sadd.s32 $0x17C00, s8;
	s14 =	sadd.s32 s7, s8;
	s8 =	sadd.s32 $0x16500, s8  }
0xc: {  	s7 =	sadd.s32 $0xCA00, s10;
	s9 =	sadd.s32 $0x18C00, s14;
	s10 =	smax.u32 s12, $0x1  }
0xd: {  	s12 =	simm.s32 $0x1;
	s14 =	sshrl.u32 s15, $0x3;
	s15 =	simm.s32 $0x80  }
.LBB2_1:
0xe: {  	s17 =	simm.s32 @p0 $0x0;
	s18 =	simm.s32 @p0 $0x1  }
0xf: {  	[tilespmem:s17], [sflag:$0x1] =	stream.linear.gather @p0 [hbm4b:s8+s17], $0xA00, $0x38;
	[tilespmem:$0xE600] =	vst v63  }
0x10: {  	_ =	swait.ge @p0 [sflag:s18], $0xA00  }
0x11: {  	[sflag:s18] =	ssyncset.done @p0 $0x0  }
0x12: {  	s19 =	simm.s32 @p0 $0xA00;
	[sflag:s18] =	ssyncadd.s32 @p0 $0xFFFFF600  }
0x13: {  	[tilespmem:s19], [sflag:$0x1] =	stream.linear.gather @p0 [hbm4b:s4+s17], $0x1E00, $0x38;
	[tilespmem:$0xE600] =	vst v63  }
0x14: {  	_ =	swait.ge @p0 [sflag:s18], $0x1E00  }
0x15: {  	[sflag:s18] =	ssyncset.done @p0 $0x0  }
0x16: {  	s17 =	simm.s32 @!p0 $0x0;
	[sflag:s18] =	ssyncadd.s32 @p0 $0xFFFFE200  }
0x17: {  	[tilespmem:s17], [sflag:$0x1] =	stream.linear.gather @!p0 [hbm4b:s7+s17], $0x2800, $0x38;
	[tilespmem:$0xE600] =	vst v63  }
0x18: {  	s17 =	simm.s32 @!p0 $0x1  }
0x19: {  	_ =	swait.ge @!p0 [sflag:s17], $0x2800  }
0x1a: {  	[sflag:s17] =	ssyncset.done @!p0 $0x0  }
0x1b: {  	[sflag:s17] =	ssyncadd.s32 @!p0 $0xFFFFD800  }
0x1c: {  	[tilespmem:s11], [sflag:$0x1] =	stream.linear.gather [hbm4b:s5+s3], $0x2000, $0x38;
	[tilespmem:$0xE600] =	vst v63  }
0x1d: {  	_ =	swait.ge [sflag:s12], $0x2000  }
0x1e: {  	[sflag:s12] =	ssyncset.done $0x0  }
0x1f: {  	[sflag:s12] =	ssyncadd.s32 $0xFFFFE000  }
0x20: {  	[spmem:s14], [sflag:s13] =	dma.local [hbm:s6], $0x13C0  }
0x21: {  	_ =	swait.ge [sflag:s12], $0x13C0  }
0x22: {  	[sflag:s12] =	ssyncset.done $0x0  }
0x23: {  	[sflag:s12] =	ssyncadd.s32 $0xFFFFEC40  }
0x24: {  	s31 =	simm.s32 $0x0;
	[bflag:$0x0] =	sbarrier.arrive $0xFFFF  }
0x25: {  	[spmem:s2] =	stream.indirect.scatter.add.f32 [tilespmem:s11], [sflag:$0x1], $0x40, s31, s15, $0xb8;
	[tilespmem:$0xE600] =	vst v63  }
0x26: {  	_ =	swait.ge [sflag:s12], $0x2000  }
0x27: {  	s17 =	simm.s32 $0x200;
	[sflag:s12] =	ssyncset.done $0x0  }
.LBB2_2:
0x28: {  	s18 =	sshra.s32 s17, $0x2;
	[sflag:s12] =	ssyncadd.s32 $0xFFFFE000;
	p1 =	sne.s32 s17, $0x9E00  }
0x29: {  	[spmem:s2] =	stream.indirect.scatter.add.f32 [tilespmem:s11], [sflag:$0x1], $0x40, s18, s15, $0xb8;
	[tilespmem:$0xE600] =	vst v63  }
.Ltmp0:
0x2a: {  	_ = 	snop;
	(pc) =	sbr.rel @p1 .LBB2_2-.Ltmp0, $4  }
0x2b: {  	_ = 	snop  }
0x2c: {  	s17 =	sadd.s32 $0x200, s17  }
0x2d: {  	_ =	swait.ge [sflag:s12], $0x2000  }
0x2e: {  	[sflag:s12] =	ssyncset.done $0x0  }
0x2f: {  	s16 =	sadd.s32 $0x1, s16  }
0x30: {  	[sflag:s12] =	ssyncadd.s32 $0xFFFFE000;
	p1 =	sne.s32 s16, s10  }
.Ltmp1:
0x31: {  	[bflag:$0x0] =	sbarrier.arrive $0xFFFF;
	(pc) =	sbr.rel @p1 .LBB2_1-.Ltmp1, $4  }
0x32: {  	[hbm:s9], [sflag:s13] =	dma.local [spmem:s14], $0x13C0  }
0x33: {  	_ =	swait.ge [sflag:s12], $0x13C0  }
0x34: {  	[sflag:s12] =	ssyncset.done $0x0  }
0x35: {  	[sflag:s12] =	ssyncadd.s32 $0xFFFFEC40  }
0x36: {  	_ =	sfence.sel $0x180000  }
0x37: {  	[bflag:$0x0] =	sbarrier.arrive $0xFFFF  }
0x38: {  	p0 =	sne.s32 s0, $0x0;
	_ =	strace $0x90000047  }
0x39: {  	s0 =	sadd.s32 @!p0 $0x100000, s1;
	[bflag:$0x2] =	sbarrier.arrive $0xFFFF  }
0x3a: {  	[sflag:s0] =	ssyncadd.tile.s32 @!p0 $0x1;
	_ =	shalt  }
.Lfunc_end2:
_tile_overlayer_lowered:
.L_overlay_start_2:
0x3b: {  	(tag) =	ssettag $0x2  }
0x3c: {  	s0 =	rddreg [dreg:$0x0];
	s2 =	stileid.u32  }
0x3d: {  	s1 =	rddreg [dreg:$0x1];
	p0 =	sne.s32 s2, $0x0  }
0x3e: {  	s3 =	rddreg [dreg:$0x2];
	[bflag:$0x3] =	sbarrier.arrive $0xFFFF;
	s2 =	simm.s32 @!p0 $0x1C01  }
0x3f: {  	[timem:s3], [sflag:s2] =	dma.local @!p0 [hbm:s0], s1  }
0x40: {  	s0 =	simm.s32 @!p0 $0x1  }
0x41: {  	_ =	swait.ge @!p0 [sflag:s0], s1  }
0x42: {  	s1 =	ssub.s32 @!p0 $0x0, s1;
	[sflag:s0] =	ssyncset.done @!p0 $0x0  }
0x43: {  	[sflag:s0] =	ssyncadd.s32 @!p0 s1  }
0x44: {  	[bflag:$0x3] =	sbarrier.arrive $0xFFFF  }
0x45: {  	_ =	shalt  }

</sc_bundles>
